<compile_context>
chip_gen: v7x
topology: tpu7x:2x2x1
jax: 0.10.2.dev20260603
libtpu: 0.0.44.dev20260713+nightly
codegen_flags: <defaults>
</compile_context>

<pallas_src>
import functools

import jax
import jax.numpy as jnp
from jax import lax
from jax.experimental import pallas as pl
from jax.experimental.pallas import tpu as pltpu
from jax.experimental.pallas import tpu_sc as plsc

B = 4096
L = 50
D = 128
LANES = 16
NVREG = D // LANES
NBUF = 6


@functools.cache
def _build():
    info = plsc.get_sparse_core_info()
    nw = info.num_cores * info.num_subcores
    b_per_w = B // nw
    n_main = (L - NBUF) // NBUF * NBUF
    mesh = plsc.VectorSubcoreMesh(core_axis_name="c", subcore_axis_name="s")

    @functools.partial(
        pl.kernel,
        mesh=mesh,
        compiler_params=pltpu.CompilerParams(needs_layout_passes=False),
        out_type=jax.ShapeDtypeStruct((B, D), jnp.float32),
        scratch_types=[
            pltpu.VMEM((b_per_w, L), jnp.int32),
            pltpu.VMEM((L * b_per_w,), jnp.int32),
            *[pltpu.VMEM((b_per_w, D), jnp.float32) for _ in range(NBUF)],
            [pltpu.SemaphoreType.DMA] * NBUF,
        ],
    )
    def k(ids_hbm, table_hbm, out_hbm, idx_v, idxt_v, *accs_and_sems):
        accs = accs_and_sems[:NBUF]
        sems = accs_and_sems[NBUF]
        cid = lax.axis_index("c")
        sid = lax.axis_index("s")
        wid = sid * info.num_cores + cid
        base_row = wid * b_per_w

        pltpu.sync_copy(ids_hbm.at[pl.ds(base_row, b_per_w)], idx_v)

        def transpose_col(l):
            col = jnp.zeros((LANES,), jnp.int32) + l
            for g in range(b_per_w // LANES):
                rows = lax.iota(jnp.int32, LANES) + g * LANES
                vals = plsc.load_gather(idx_v, [rows, col])
                idxt_v[pl.ds(l * b_per_w + g * LANES, LANES)] = vals

        def gather(l, buf):
            return pltpu.make_async_copy(
                table_hbm.at[idxt_v.at[pl.ds(l * b_per_w, b_per_w)]],
                accs[buf],
                sems[buf],
            )

        for n in range(NBUF):
            transpose_col(n)
            gather(n, n).start()

        @pl.loop(NBUF, L)
        def _transpose(l):
            transpose_col(l)

        @pl.loop(NBUF, NBUF + n_main, step=NBUF)
        def _gathers(l):
            for n in range(NBUF):
                gather(l + n, n).wait()
                gather(l + n, n).start(add=True)

        for l in range(NBUF + n_main, L):
            n = l % NBUF
            gather(l, n).wait()
            gather(l, n).start(add=True)

        for n in range(NBUF):
            gather(n, n).wait()

        @pl.loop(0, b_per_w)
        def _fold(i):
            for j in range(NVREG):
                s = accs[0][i, pl.ds(j * LANES, LANES)]
                for n in range(1, NBUF):
                    s = s + accs[n][i, pl.ds(j * LANES, LANES)]
                accs[0][i, pl.ds(j * LANES, LANES)] = s * (1.0 / L)

        pltpu.sync_copy(accs[0], out_hbm.at[pl.ds(base_row, b_per_w)])

    return k


def kernel(text_ids, table):
    return _build()(text_ids.astype(jnp.int32), table)

# --- scband reference (transcript-rebuilt; emitter-appended) ---
"""Pipeline reference for scband-text-encoder-sbert-10780367913121 (READ-ONLY COPY).

The authoritative reference and input builder live on the scoring server;
editing this copy changes nothing except your own understanding.
"""

import jax, jax.numpy as jnp
import numpy as np

VOCAB = 100000
EMBED_DIM = 128
B = 4096
L = 50

def setup_inputs(seed: int = 0) -> dict:
    key = jax.random.key(seed)
    k1, k2 = jax.random.split(key)
    text_ids = jax.random.randint(k1, (B, L), 0, VOCAB)
    # learned embedding table (self.emb) sized [vocab, embed_dim]
    table = jax.random.normal(k2, (VOCAB, EMBED_DIM), dtype=jnp.float32) * 0.02
    return {"text_ids": text_ids, "table": table}

def reference(text_ids, table):
    # emb = self.emb(text_ids)  -> gather rows from the embedding table
    emb = jnp.take(table, text_ids, axis=0)  # [B, L, D]
    # return emb.mean(1)  -> mean-pool over the sequence dimension
    return emb.mean(axis=1)  # [B, D]

if __name__ == "__main__":
    import jax
    _d = setup_inputs()
    print(jax.jit(kernel)(*tuple(_d.values())))

</pallas_src>

<mosaic_0001>
#map = affine_map<(d0, d1) -> (0, 0)>
module attributes {stable_mosaic.version = 14 : i64} {
  func.func @k(%arg0: i32, %arg1: i32, %arg2: memref<4096x50xi32, #tpu.memory_space<hbm>>, %arg3: memref<100000x128xf32, #tpu.memory_space<hbm>>, %arg4: memref<4096x128xf32, #tpu.memory_space<hbm>>, %arg5: memref<128x50xi32, #tpu.memory_space<vmem>>, %arg6: memref<6400xi32, #tpu.memory_space<vmem>>, %arg7: memref<128x128xf32, #tpu.memory_space<vmem>>, %arg8: memref<128x128xf32, #tpu.memory_space<vmem>>, %arg9: memref<128x128xf32, #tpu.memory_space<vmem>>, %arg10: memref<128x128xf32, #tpu.memory_space<vmem>>, %arg11: memref<128x128xf32, #tpu.memory_space<vmem>>, %arg12: memref<128x128xf32, #tpu.memory_space<vmem>>, %arg13: memref<!tpu.dma_semaphore, #tpu.memory_space<semaphore_mem>>, %arg14: memref<!tpu.dma_semaphore, #tpu.memory_space<semaphore_mem>>, %arg15: memref<!tpu.dma_semaphore, #tpu.memory_space<semaphore_mem>>, %arg16: memref<!tpu.dma_semaphore, #tpu.memory_space<semaphore_mem>>, %arg17: memref<!tpu.dma_semaphore, #tpu.memory_space<semaphore_mem>>, %arg18: memref<!tpu.dma_semaphore, #tpu.memory_space<semaphore_mem>>) attributes {dimension_semantics = [#tpu.dimension_semantics<core_parallel>, #tpu.dimension_semantics<subcore_parallel>], iteration_bounds = array<i64: 2, 16>, scalar_prefetch = 0 : i64, scratch_operands = 14 : i64, tpu.core_type = #tpu.core_type<sc_vector_subcore>, window_params = [{transform_indices = #map}, {transform_indices = #map}, {transform_indices = #map}]} {
    %mul3A = arith.constant 2 : i32
    %mul3A_0 = arith.muli %arg1, %mul3A : i32
    %add3A = arith.addi %mul3A_0, %arg0 : i32
    %mul3A_1 = arith.constant 128 : i32
    %mul3A_2 = arith.muli %add3A, %mul3A_1 : i32
    "tpu.region"() ({
      %run_scoped3A = tpu.sem_alloc : memref<!tpu.dma_semaphore, #tpu.memory_space<semaphore_mem>>
      %dma_start3A_457 = arith.constant 0 : i32
      %dma_start3A_458 = tpu.memref_slice %arg2[%mul3A_2, %dma_start3A_457] : memref<4096x50xi32, #tpu.memory_space<hbm>> -> memref<128x50xi32, #tpu.memory_space<hbm>>
      %dma_start3A_459 = arith.constant 0 : i32
      %dma_start3A_460 = tpu.memref_slice %arg2[%mul3A_2, %dma_start3A_459] : memref<4096x50xi32, #tpu.memory_space<hbm>> -> memref<128x50xi32, #tpu.memory_space<hbm>>
      tpu.enqueue_dma source(%dma_start3A_460 : memref<128x50xi32, #tpu.memory_space<hbm>>) target(%arg5 : memref<128x50xi32, #tpu.memory_space<vmem>>) target_semaphore(%run_scoped3A : memref<!tpu.dma_semaphore, #tpu.memory_space<semaphore_mem>>)
      %dma_wait3A_461 = arith.constant 0 : i32
      %dma_wait3A_462 = tpu.memref_slice %arg2[%mul3A_2, %dma_wait3A_461] : memref<4096x50xi32, #tpu.memory_space<hbm>> -> memref<128x50xi32, #tpu.memory_space<hbm>>
      %dma_wait3A_463 = arith.constant 0 : i32
      %dma_wait3A_464 = tpu.memref_slice %arg2[%mul3A_2, %dma_wait3A_463] : memref<4096x50xi32, #tpu.memory_space<hbm>> -> memref<128x50xi32, #tpu.memory_space<hbm>>
      tpu.wait_dma2 semaphore(%run_scoped3A : memref<!tpu.dma_semaphore, #tpu.memory_space<semaphore_mem>>) src(%dma_wait3A_464 : memref<128x50xi32, #tpu.memory_space<hbm>>) dst(%arg5 : memref<128x50xi32, #tpu.memory_space<vmem>>)
      tpu.yield
    }) : () -> ()
    %broadcast_in_dim3A = arith.constant 0 : i32
    %broadcast_in_dim3A_3 = vector.broadcast %broadcast_in_dim3A : i32 to vector<16xi32>
    %add3A_4 = arith.constant 0 : i32
    %add3A_5 = vector.broadcast %add3A_4 : i32 to vector<16xi32>
    %add3A_6 = arith.addi %broadcast_in_dim3A_3, %add3A_5 : vector<16xi32>
    %iota3A = tpu.iota {dimensions = array<i32: 0>} : vector<16xi32>
    %add3A_7 = arith.constant 0 : i32
    %add3A_8 = vector.broadcast %add3A_7 : i32 to vector<16xi32>
    %add3A_9 = arith.addi %iota3A, %add3A_8 : vector<16xi32>
    %gather3A = tpu.vector_load_idx %arg5[%add3A_9, %add3A_6] : memref<128x50xi32, #tpu.memory_space<vmem>>[vector<16xi32>, vector<16xi32>], vector<16xi32>,
    %swap3A = arith.constant 0 : index
    %swap3A_10 = tpu.vector_load %arg6[%swap3A] {strides = array<i32>} : memref<6400xi32, #tpu.memory_space<vmem>>, vector<16xi32>,
    tpu.vector_store %arg6[%swap3A], %gather3A {strides = array<i32>} : memref<6400xi32, #tpu.memory_space<vmem>>, vector<16xi32>,
    %iota3A_11 = tpu.iota {dimensions = array<i32: 0>} : vector<16xi32>
    %add3A_12 = arith.constant 16 : i32
    %add3A_13 = vector.broadcast %add3A_12 : i32 to vector<16xi32>
    %add3A_14 = arith.addi %iota3A_11, %add3A_13 : vector<16xi32>
    %gather3A_15 = tpu.vector_load_idx %arg5[%add3A_14, %add3A_6] : memref<128x50xi32, #tpu.memory_space<vmem>>[vector<16xi32>, vector<16xi32>], vector<16xi32>,
    %swap3A_16 = arith.constant 16 : index
    %swap3A_17 = tpu.vector_load %arg6[%swap3A_16] {strides = array<i32>} : memref<6400xi32, #tpu.memory_space<vmem>>, vector<16xi32>,
    tpu.vector_store %arg6[%swap3A_16], %gather3A_15 {strides = array<i32>} : memref<6400xi32, #tpu.memory_space<vmem>>, vector<16xi32>,
    %iota3A_18 = tpu.iota {dimensions = array<i32: 0>} : vector<16xi32>
    %add3A_19 = arith.constant 32 : i32
    %add3A_20 = vector.broadcast %add3A_19 : i32 to vector<16xi32>
    %add3A_21 = arith.addi %iota3A_18, %add3A_20 : vector<16xi32>
    %gather3A_22 = tpu.vector_load_idx %arg5[%add3A_21, %add3A_6] : memref<128x50xi32, #tpu.memory_space<vmem>>[vector<16xi32>, vector<16xi32>], vector<16xi32>,
    %swap3A_23 = arith.constant 32 : index
    %swap3A_24 = tpu.vector_load %arg6[%swap3A_23] {strides = array<i32>} : memref<6400xi32, #tpu.memory_space<vmem>>, vector<16xi32>,
    tpu.vector_store %arg6[%swap3A_23], %gather3A_22 {strides = array<i32>} : memref<6400xi32, #tpu.memory_space<vmem>>, vector<16xi32>,
    %iota3A_25 = tpu.iota {dimensions = array<i32: 0>} : vector<16xi32>
    %add3A_26 = arith.constant 48 : i32
    %add3A_27 = vector.broadcast %add3A_26 : i32 to vector<16xi32>
    %add3A_28 = arith.addi %iota3A_25, %add3A_27 : vector<16xi32>
    %gather3A_29 = tpu.vector_load_idx %arg5[%add3A_28, %add3A_6] : memref<128x50xi32, #tpu.memory_space<vmem>>[vector<16xi32>, vector<16xi32>], vector<16xi32>,
    %swap3A_30 = arith.constant 48 : index
    %swap3A_31 = tpu.vector_load %arg6[%swap3A_30] {strides = array<i32>} : memref<6400xi32, #tpu.memory_space<vmem>>, vector<16xi32>,
    tpu.vector_store %arg6[%swap3A_30], %gather3A_29 {strides = array<i32>} : memref<6400xi32, #tpu.memory_space<vmem>>, vector<16xi32>,
    %iota3A_32 = tpu.iota {dimensions = array<i32: 0>} : vector<16xi32>
    %add3A_33 = arith.constant 64 : i32
    %add3A_34 = vector.broadcast %add3A_33 : i32 to vector<16xi32>
    %add3A_35 = arith.addi %iota3A_32, %add3A_34 : vector<16xi32>
    %gather3A_36 = tpu.vector_load_idx %arg5[%add3A_35, %add3A_6] : memref<128x50xi32, #tpu.memory_space<vmem>>[vector<16xi32>, vector<16xi32>], vector<16xi32>,
    %swap3A_37 = arith.constant 64 : index
    %swap3A_38 = tpu.vector_load %arg6[%swap3A_37] {strides = array<i32>} : memref<6400xi32, #tpu.memory_space<vmem>>, vector<16xi32>,
    tpu.vector_store %arg6[%swap3A_37], %gather3A_36 {strides = array<i32>} : memref<6400xi32, #tpu.memory_space<vmem>>, vector<16xi32>,
    %iota3A_39 = tpu.iota {dimensions = array<i32: 0>} : vector<16xi32>
    %add3A_40 = arith.constant 80 : i32
    %add3A_41 = vector.broadcast %add3A_40 : i32 to vector<16xi32>
    %add3A_42 = arith.addi %iota3A_39, %add3A_41 : vector<16xi32>
    %gather3A_43 = tpu.vector_load_idx %arg5[%add3A_42, %add3A_6] : memref<128x50xi32, #tpu.memory_space<vmem>>[vector<16xi32>, vector<16xi32>], vector<16xi32>,
    %swap3A_44 = arith.constant 80 : index
    %swap3A_45 = tpu.vector_load %arg6[%swap3A_44] {strides = array<i32>} : memref<6400xi32, #tpu.memory_space<vmem>>, vector<16xi32>,
    tpu.vector_store %arg6[%swap3A_44], %gather3A_43 {strides = array<i32>} : memref<6400xi32, #tpu.memory_space<vmem>>, vector<16xi32>,
    %iota3A_46 = tpu.iota {dimensions = array<i32: 0>} : vector<16xi32>
    %add3A_47 = arith.constant 96 : i32
    %add3A_48 = vector.broadcast %add3A_47 : i32 to vector<16xi32>
    %add3A_49 = arith.addi %iota3A_46, %add3A_48 : vector<16xi32>
    %gather3A_50 = tpu.vector_load_idx %arg5[%add3A_49, %add3A_6] : memref<128x50xi32, #tpu.memory_space<vmem>>[vector<16xi32>, vector<16xi32>], vector<16xi32>,
    %swap3A_51 = arith.constant 96 : index
    %swap3A_52 = tpu.vector_load %arg6[%swap3A_51] {strides = array<i32>} : memref<6400xi32, #tpu.memory_space<vmem>>, vector<16xi32>,
    tpu.vector_store %arg6[%swap3A_51], %gather3A_50 {strides = array<i32>} : memref<6400xi32, #tpu.memory_space<vmem>>, vector<16xi32>,
    %iota3A_53 = tpu.iota {dimensions = array<i32: 0>} : vector<16xi32>
    %add3A_54 = arith.constant 112 : i32
    %add3A_55 = vector.broadcast %add3A_54 : i32 to vector<16xi32>
    %add3A_56 = arith.addi %iota3A_53, %add3A_55 : vector<16xi32>
    %gather3A_57 = tpu.vector_load_idx %arg5[%add3A_56, %add3A_6] : memref<128x50xi32, #tpu.memory_space<vmem>>[vector<16xi32>, vector<16xi32>], vector<16xi32>,
    %swap3A_58 = arith.constant 112 : index
    %swap3A_59 = tpu.vector_load %arg6[%swap3A_58] {strides = array<i32>} : memref<6400xi32, #tpu.memory_space<vmem>>, vector<16xi32>,
    tpu.vector_store %arg6[%swap3A_58], %gather3A_57 {strides = array<i32>} : memref<6400xi32, #tpu.memory_space<vmem>>, vector<16xi32>,
    %dma_start3A = arith.constant 0 : i32
    %dma_start3A_60 = tpu.memref_slice %arg6[%dma_start3A] : memref<6400xi32, #tpu.memory_space<vmem>> -> memref<128xi32, #tpu.memory_space<vmem>>
    %dma_start3A_61 = arith.constant 0 : i32
    %dma_start3A_62 = arith.constant 0 : i32
    %dma_start3A_63 = tpu.memref_slice %arg3[%dma_start3A_61, %dma_start3A_62] : memref<100000x128xf32, #tpu.memory_space<hbm>> -> memref<100000x128xf32, #tpu.memory_space<hbm>>
    tpu.enqueue_indirect_dma source(%dma_start3A_63 : memref<100000x128xf32, #tpu.memory_space<hbm>>) target(%arg7 : memref<128x128xf32, #tpu.memory_space<vmem>>) offsets(%dma_start3A_60 : memref<128xi32, #tpu.memory_space<vmem>>) semaphore(%arg13 : memref<!tpu.dma_semaphore, #tpu.memory_space<semaphore_mem>>)
    %broadcast_in_dim3A_64 = arith.constant 0 : i32
    %broadcast_in_dim3A_65 = vector.broadcast %broadcast_in_dim3A_64 : i32 to vector<16xi32>
    %add3A_66 = arith.constant 1 : i32
    %add3A_67 = vector.broadcast %add3A_66 : i32 to vector<16xi32>
    %add3A_68 = arith.addi %broadcast_in_dim3A_65, %add3A_67 : vector<16xi32>
    %iota3A_69 = tpu.iota {dimensions = array<i32: 0>} : vector<16xi32>
    %add3A_70 = arith.constant 0 : i32
    %add3A_71 = vector.broadcast %add3A_70 : i32 to vector<16xi32>
    %add3A_72 = arith.addi %iota3A_69, %add3A_71 : vector<16xi32>
    %gather3A_73 = tpu.vector_load_idx %arg5[%add3A_72, %add3A_68] : memref<128x50xi32, #tpu.memory_space<vmem>>[vector<16xi32>, vector<16xi32>], vector<16xi32>,
    %swap3A_74 = arith.constant 128 : index
    %swap3A_75 = tpu.vector_load %arg6[%swap3A_74] {strides = array<i32>} : memref<6400xi32, #tpu.memory_space<vmem>>, vector<16xi32>,
    tpu.vector_store %arg6[%swap3A_74], %gather3A_73 {strides = array<i32>} : memref<6400xi32, #tpu.memory_space<vmem>>, vector<16xi32>,
    %iota3A_76 = tpu.iota {dimensions = array<i32: 0>} : vector<16xi32>
    %add3A_77 = arith.constant 16 : i32
    %add3A_78 = vector.broadcast %add3A_77 : i32 to vector<16xi32>
    %add3A_79 = arith.addi %iota3A_76, %add3A_78 : vector<16xi32>
    %gather3A_80 = tpu.vector_load_idx %arg5[%add3A_79, %add3A_68] : memref<128x50xi32, #tpu.memory_space<vmem>>[vector<16xi32>, vector<16xi32>], vector<16xi32>,
    %swap3A_81 = arith.constant 144 : index
    %swap3A_82 = tpu.vector_load %arg6[%swap3A_81] {strides = array<i32>} : memref<6400xi32, #tpu.memory_space<vmem>>, vector<16xi32>,
    tpu.vector_store %arg6[%swap3A_81], %gather3A_80 {strides = array<i32>} : memref<6400xi32, #tpu.memory_space<vmem>>, vector<16xi32>,
    %iota3A_83 = tpu.iota {dimensions = array<i32: 0>} : vector<16xi32>
    %add3A_84 = arith.constant 32 : i32
    %add3A_85 = vector.broadcast %add3A_84 : i32 to vector<16xi32>
    %add3A_86 = arith.addi %iota3A_83, %add3A_85 : vector<16xi32>
    %gather3A_87 = tpu.vector_load_idx %arg5[%add3A_86, %add3A_68] : memref<128x50xi32, #tpu.memory_space<vmem>>[vector<16xi32>, vector<16xi32>], vector<16xi32>,
    %swap3A_88 = arith.constant 160 : index
    %swap3A_89 = tpu.vector_load %arg6[%swap3A_88] {strides = array<i32>} : memref<6400xi32, #tpu.memory_space<vmem>>, vector<16xi32>,
    tpu.vector_store %arg6[%swap3A_88], %gather3A_87 {strides = array<i32>} : memref<6400xi32, #tpu.memory_space<vmem>>, vector<16xi32>,
    %iota3A_90 = tpu.iota {dimensions = array<i32: 0>} : vector<16xi32>
    %add3A_91 = arith.constant 48 : i32
    %add3A_92 = vector.broadcast %add3A_91 : i32 to vector<16xi32>
    %add3A_93 = arith.addi %iota3A_90, %add3A_92 : vector<16xi32>
    %gather3A_94 = tpu.vector_load_idx %arg5[%add3A_93, %add3A_68] : memref<128x50xi32, #tpu.memory_space<vmem>>[vector<16xi32>, vector<16xi32>], vector<16xi32>,
    %swap3A_95 = arith.constant 176 : index
    %swap3A_96 = tpu.vector_load %arg6[%swap3A_95] {strides = array<i32>} : memref<6400xi32, #tpu.memory_space<vmem>>, vector<16xi32>,
    tpu.vector_store %arg6[%swap3A_95], %gather3A_94 {strides = array<i32>} : memref<6400xi32, #tpu.memory_space<vmem>>, vector<16xi32>,
    %iota3A_97 = tpu.iota {dimensions = array<i32: 0>} : vector<16xi32>
    %add3A_98 = arith.constant 64 : i32
    %add3A_99 = vector.broadcast %add3A_98 : i32 to vector<16xi32>
    %add3A_100 = arith.addi %iota3A_97, %add3A_99 : vector<16xi32>
    %gather3A_101 = tpu.vector_load_idx %arg5[%add3A_100, %add3A_68] : memref<128x50xi32, #tpu.memory_space<vmem>>[vector<16xi32>, vector<16xi32>], vector<16xi32>,
    %swap3A_102 = arith.constant 192 : index
    %swap3A_103 = tpu.vector_load %arg6[%swap3A_102] {strides = array<i32>} : memref<6400xi32, #tpu.memory_space<vmem>>, vector<16xi32>,
    tpu.vector_store %arg6[%swap3A_102], %gather3A_101 {strides = array<i32>} : memref<6400xi32, #tpu.memory_space<vmem>>, vector<16xi32>,
    %iota3A_104 = tpu.iota {dimensions = array<i32: 0>} : vector<16xi32>
    %add3A_105 = arith.constant 80 : i32
    %add3A_106 = vector.broadcast %add3A_105 : i32 to vector<16xi32>
    %add3A_107 = arith.addi %iota3A_104, %add3A_106 : vector<16xi32>
    %gather3A_108 = tpu.vector_load_idx %arg5[%add3A_107, %add3A_68] : memref<128x50xi32, #tpu.memory_space<vmem>>[vector<16xi32>, vector<16xi32>], vector<16xi32>,
    %swap3A_109 = arith.constant 208 : index
    %swap3A_110 = tpu.vector_load %arg6[%swap3A_109] {strides = array<i32>} : memref<6400xi32, #tpu.memory_space<vmem>>, vector<16xi32>,
    tpu.vector_store %arg6[%swap3A_109], %gather3A_108 {strides = array<i32>} : memref<6400xi32, #tpu.memory_space<vmem>>, vector<16xi32>,
    %iota3A_111 = tpu.iota {dimensions = array<i32: 0>} : vector<16xi32>
    %add3A_112 = arith.constant 96 : i32
    %add3A_113 = vector.broadcast %add3A_112 : i32 to vector<16xi32>
    %add3A_114 = arith.addi %iota3A_111, %add3A_113 : vector<16xi32>
    %gather3A_115 = tpu.vector_load_idx %arg5[%add3A_114, %add3A_68] : memref<128x50xi32, #tpu.memory_space<vmem>>[vector<16xi32>, vector<16xi32>], vector<16xi32>,
    %swap3A_116 = arith.constant 224 : index
    %swap3A_117 = tpu.vector_load %arg6[%swap3A_116] {strides = array<i32>} : memref<6400xi32, #tpu.memory_space<vmem>>, vector<16xi32>,
    tpu.vector_store %arg6[%swap3A_116], %gather3A_115 {strides = array<i32>} : memref<6400xi32, #tpu.memory_space<vmem>>, vector<16xi32>,
    %iota3A_118 = tpu.iota {dimensions = array<i32: 0>} : vector<16xi32>
    %add3A_119 = arith.constant 112 : i32
    %add3A_120 = vector.broadcast %add3A_119 : i32 to vector<16xi32>
    %add3A_121 = arith.addi %iota3A_118, %add3A_120 : vector<16xi32>
    %gather3A_122 = tpu.vector_load_idx %arg5[%add3A_121, %add3A_68] : memref<128x50xi32, #tpu.memory_space<vmem>>[vector<16xi32>, vector<16xi32>], vector<16xi32>,
    %swap3A_123 = arith.constant 240 : index
    %swap3A_124 = tpu.vector_load %arg6[%swap3A_123] {strides = array<i32>} : memref<6400xi32, #tpu.memory_space<vmem>>, vector<16xi32>,
    tpu.vector_store %arg6[%swap3A_123], %gather3A_122 {strides = array<i32>} : memref<6400xi32, #tpu.memory_space<vmem>>, vector<16xi32>,
    %dma_start3A_125 = arith.constant 128 : i32
    %dma_start3A_126 = tpu.memref_slice %arg6[%dma_start3A_125] : memref<6400xi32, #tpu.memory_space<vmem>> -> memref<128xi32, #tpu.memory_space<vmem>>
    %dma_start3A_127 = arith.constant 0 : i32
    %dma_start3A_128 = arith.constant 0 : i32
    %dma_start3A_129 = tpu.memref_slice %arg3[%dma_start3A_127, %dma_start3A_128] : memref<100000x128xf32, #tpu.memory_space<hbm>> -> memref<100000x128xf32, #tpu.memory_space<hbm>>
    tpu.enqueue_indirect_dma source(%dma_start3A_129 : memref<100000x128xf32, #tpu.memory_space<hbm>>) target(%arg8 : memref<128x128xf32, #tpu.memory_space<vmem>>) offsets(%dma_start3A_126 : memref<128xi32, #tpu.memory_space<vmem>>) semaphore(%arg14 : memref<!tpu.dma_semaphore, #tpu.memory_space<semaphore_mem>>)
    %broadcast_in_dim3A_130 = arith.constant 0 : i32
    %broadcast_in_dim3A_131 = vector.broadcast %broadcast_in_dim3A_130 : i32 to vector<16xi32>
    %add3A_132 = arith.constant 2 : i32
    %add3A_133 = vector.broadcast %add3A_132 : i32 to vector<16xi32>
    %add3A_134 = arith.addi %broadcast_in_dim3A_131, %add3A_133 : vector<16xi32>
    %iota3A_135 = tpu.iota {dimensions = array<i32: 0>} : vector<16xi32>
    %add3A_136 = arith.constant 0 : i32
    %add3A_137 = vector.broadcast %add3A_136 : i32 to vector<16xi32>
    %add3A_138 = arith.addi %iota3A_135, %add3A_137 : vector<16xi32>
    %gather3A_139 = tpu.vector_load_idx %arg5[%add3A_138, %add3A_134] : memref<128x50xi32, #tpu.memory_space<vmem>>[vector<16xi32>, vector<16xi32>], vector<16xi32>,
    %swap3A_140 = arith.constant 256 : index
    %swap3A_141 = tpu.vector_load %arg6[%swap3A_140] {strides = array<i32>} : memref<6400xi32, #tpu.memory_space<vmem>>, vector<16xi32>,
    tpu.vector_store %arg6[%swap3A_140], %gather3A_139 {strides = array<i32>} : memref<6400xi32, #tpu.memory_space<vmem>>, vector<16xi32>,
    %iota3A_142 = tpu.iota {dimensions = array<i32: 0>} : vector<16xi32>
    %add3A_143 = arith.constant 16 : i32
    %add3A_144 = vector.broadcast %add3A_143 : i32 to vector<16xi32>
    %add3A_145 = arith.addi %iota3A_142, %add3A_144 : vector<16xi32>
    %gather3A_146 = tpu.vector_load_idx %arg5[%add3A_145, %add3A_134] : memref<128x50xi32, #tpu.memory_space<vmem>>[vector<16xi32>, vector<16xi32>], vector<16xi32>,
    %swap3A_147 = arith.constant 272 : index
    %swap3A_148 = tpu.vector_load %arg6[%swap3A_147] {strides = array<i32>} : memref<6400xi32, #tpu.memory_space<vmem>>, vector<16xi32>,
    tpu.vector_store %arg6[%swap3A_147], %gather3A_146 {strides = array<i32>} : memref<6400xi32, #tpu.memory_space<vmem>>, vector<16xi32>,
    %iota3A_149 = tpu.iota {dimensions = array<i32: 0>} : vector<16xi32>
    %add3A_150 = arith.constant 32 : i32
    %add3A_151 = vector.broadcast %add3A_150 : i32 to vector<16xi32>
    %add3A_152 = arith.addi %iota3A_149, %add3A_151 : vector<16xi32>
    %gather3A_153 = tpu.vector_load_idx %arg5[%add3A_152, %add3A_134] : memref<128x50xi32, #tpu.memory_space<vmem>>[vector<16xi32>, vector<16xi32>], vector<16xi32>,
    %swap3A_154 = arith.constant 288 : index
    %swap3A_155 = tpu.vector_load %arg6[%swap3A_154] {strides = array<i32>} : memref<6400xi32, #tpu.memory_space<vmem>>, vector<16xi32>,
    tpu.vector_store %arg6[%swap3A_154], %gather3A_153 {strides = array<i32>} : memref<6400xi32, #tpu.memory_space<vmem>>, vector<16xi32>,
    %iota3A_156 = tpu.iota {dimensions = array<i32: 0>} : vector<16xi32>
    %add3A_157 = arith.constant 48 : i32
    %add3A_158 = vector.broadcast %add3A_157 : i32 to vector<16xi32>
    %add3A_159 = arith.addi %iota3A_156, %add3A_158 : vector<16xi32>
    %gather3A_160 = tpu.vector_load_idx %arg5[%add3A_159, %add3A_134] : memref<128x50xi32, #tpu.memory_space<vmem>>[vector<16xi32>, vector<16xi32>], vector<16xi32>,
    %swap3A_161 = arith.constant 304 : index
    %swap3A_162 = tpu.vector_load %arg6[%swap3A_161] {strides = array<i32>} : memref<6400xi32, #tpu.memory_space<vmem>>, vector<16xi32>,
    tpu.vector_store %arg6[%swap3A_161], %gather3A_160 {strides = array<i32>} : memref<6400xi32, #tpu.memory_space<vmem>>, vector<16xi32>,
    %iota3A_163 = tpu.iota {dimensions = array<i32: 0>} : vector<16xi32>
    %add3A_164 = arith.constant 64 : i32
    %add3A_165 = vector.broadcast %add3A_164 : i32 to vector<16xi32>
    %add3A_166 = arith.addi %iota3A_163, %add3A_165 : vector<16xi32>
    %gather3A_167 = tpu.vector_load_idx %arg5[%add3A_166, %add3A_134] : memref<128x50xi32, #tpu.memory_space<vmem>>[vector<16xi32>, vector<16xi32>], vector<16xi32>,
    %swap3A_168 = arith.constant 320 : index
    %swap3A_169 = tpu.vector_load %arg6[%swap3A_168] {strides = array<i32>} : memref<6400xi32, #tpu.memory_space<vmem>>, vector<16xi32>,
    tpu.vector_store %arg6[%swap3A_168], %gather3A_167 {strides = array<i32>} : memref<6400xi32, #tpu.memory_space<vmem>>, vector<16xi32>,
    %iota3A_170 = tpu.iota {dimensions = array<i32: 0>} : vector<16xi32>
    %add3A_171 = arith.constant 80 : i32
    %add3A_172 = vector.broadcast %add3A_171 : i32 to vector<16xi32>
    %add3A_173 = arith.addi %iota3A_170, %add3A_172 : vector<16xi32>
    %gather3A_174 = tpu.vector_load_idx %arg5[%add3A_173, %add3A_134] : memref<128x50xi32, #tpu.memory_space<vmem>>[vector<16xi32>, vector<16xi32>], vector<16xi32>,
    %swap3A_175 = arith.constant 336 : index
    %swap3A_176 = tpu.vector_load %arg6[%swap3A_175] {strides = array<i32>} : memref<6400xi32, #tpu.memory_space<vmem>>, vector<16xi32>,
    tpu.vector_store %arg6[%swap3A_175], %gather3A_174 {strides = array<i32>} : memref<6400xi32, #tpu.memory_space<vmem>>, vector<16xi32>,
    %iota3A_177 = tpu.iota {dimensions = array<i32: 0>} : vector<16xi32>
    %add3A_178 = arith.constant 96 : i32
    %add3A_179 = vector.broadcast %add3A_178 : i32 to vector<16xi32>
    %add3A_180 = arith.addi %iota3A_177, %add3A_179 : vector<16xi32>
    %gather3A_181 = tpu.vector_load_idx %arg5[%add3A_180, %add3A_134] : memref<128x50xi32, #tpu.memory_space<vmem>>[vector<16xi32>, vector<16xi32>], vector<16xi32>,
    %swap3A_182 = arith.constant 352 : index
    %swap3A_183 = tpu.vector_load %arg6[%swap3A_182] {strides = array<i32>} : memref<6400xi32, #tpu.memory_space<vmem>>, vector<16xi32>,
    tpu.vector_store %arg6[%swap3A_182], %gather3A_181 {strides = array<i32>} : memref<6400xi32, #tpu.memory_space<vmem>>, vector<16xi32>,
    %iota3A_184 = tpu.iota {dimensions = array<i32: 0>} : vector<16xi32>
    %add3A_185 = arith.constant 112 : i32
    %add3A_186 = vector.broadcast %add3A_185 : i32 to vector<16xi32>
    %add3A_187 = arith.addi %iota3A_184, %add3A_186 : vector<16xi32>
    %gather3A_188 = tpu.vector_load_idx %arg5[%add3A_187, %add3A_134] : memref<128x50xi32, #tpu.memory_space<vmem>>[vector<16xi32>, vector<16xi32>], vector<16xi32>,
    %swap3A_189 = arith.constant 368 : index
    %swap3A_190 = tpu.vector_load %arg6[%swap3A_189] {strides = array<i32>} : memref<6400xi32, #tpu.memory_space<vmem>>, vector<16xi32>,
    tpu.vector_store %arg6[%swap3A_189], %gather3A_188 {strides = array<i32>} : memref<6400xi32, #tpu.memory_space<vmem>>, vector<16xi32>,
    %dma_start3A_191 = arith.constant 256 : i32
    %dma_start3A_192 = tpu.memref_slice %arg6[%dma_start3A_191] : memref<6400xi32, #tpu.memory_space<vmem>> -> memref<128xi32, #tpu.memory_space<vmem>>
    %dma_start3A_193 = arith.constant 0 : i32
    %dma_start3A_194 = arith.constant 0 : i32
    %dma_start3A_195 = tpu.memref_slice %arg3[%dma_start3A_193, %dma_start3A_194] : memref<100000x128xf32, #tpu.memory_space<hbm>> -> memref<100000x128xf32, #tpu.memory_space<hbm>>
    tpu.enqueue_indirect_dma source(%dma_start3A_195 : memref<100000x128xf32, #tpu.memory_space<hbm>>) target(%arg9 : memref<128x128xf32, #tpu.memory_space<vmem>>) offsets(%dma_start3A_192 : memref<128xi32, #tpu.memory_space<vmem>>) semaphore(%arg15 : memref<!tpu.dma_semaphore, #tpu.memory_space<semaphore_mem>>)
    %broadcast_in_dim3A_196 = arith.constant 0 : i32
    %broadcast_in_dim3A_197 = vector.broadcast %broadcast_in_dim3A_196 : i32 to vector<16xi32>
    %add3A_198 = arith.constant 3 : i32
    %add3A_199 = vector.broadcast %add3A_198 : i32 to vector<16xi32>
    %add3A_200 = arith.addi %broadcast_in_dim3A_197, %add3A_199 : vector<16xi32>
    %iota3A_201 = tpu.iota {dimensions = array<i32: 0>} : vector<16xi32>
    %add3A_202 = arith.constant 0 : i32
    %add3A_203 = vector.broadcast %add3A_202 : i32 to vector<16xi32>
    %add3A_204 = arith.addi %iota3A_201, %add3A_203 : vector<16xi32>
    %gather3A_205 = tpu.vector_load_idx %arg5[%add3A_204, %add3A_200] : memref<128x50xi32, #tpu.memory_space<vmem>>[vector<16xi32>, vector<16xi32>], vector<16xi32>,
    %swap3A_206 = arith.constant 384 : index
    %swap3A_207 = tpu.vector_load %arg6[%swap3A_206] {strides = array<i32>} : memref<6400xi32, #tpu.memory_space<vmem>>, vector<16xi32>,
    tpu.vector_store %arg6[%swap3A_206], %gather3A_205 {strides = array<i32>} : memref<6400xi32, #tpu.memory_space<vmem>>, vector<16xi32>,
    %iota3A_208 = tpu.iota {dimensions = array<i32: 0>} : vector<16xi32>
    %add3A_209 = arith.constant 16 : i32
    %add3A_210 = vector.broadcast %add3A_209 : i32 to vector<16xi32>
    %add3A_211 = arith.addi %iota3A_208, %add3A_210 : vector<16xi32>
    %gather3A_212 = tpu.vector_load_idx %arg5[%add3A_211, %add3A_200] : memref<128x50xi32, #tpu.memory_space<vmem>>[vector<16xi32>, vector<16xi32>], vector<16xi32>,
    %swap3A_213 = arith.constant 400 : index
    %swap3A_214 = tpu.vector_load %arg6[%swap3A_213] {strides = array<i32>} : memref<6400xi32, #tpu.memory_space<vmem>>, vector<16xi32>,
    tpu.vector_store %arg6[%swap3A_213], %gather3A_212 {strides = array<i32>} : memref<6400xi32, #tpu.memory_space<vmem>>, vector<16xi32>,
    %iota3A_215 = tpu.iota {dimensions = array<i32: 0>} : vector<16xi32>
    %add3A_216 = arith.constant 32 : i32
    %add3A_217 = vector.broadcast %add3A_216 : i32 to vector<16xi32>
    %add3A_218 = arith.addi %iota3A_215, %add3A_217 : vector<16xi32>
    %gather3A_219 = tpu.vector_load_idx %arg5[%add3A_218, %add3A_200] : memref<128x50xi32, #tpu.memory_space<vmem>>[vector<16xi32>, vector<16xi32>], vector<16xi32>,
    %swap3A_220 = arith.constant 416 : index
    %swap3A_221 = tpu.vector_load %arg6[%swap3A_220] {strides = array<i32>} : memref<6400xi32, #tpu.memory_space<vmem>>, vector<16xi32>,
    tpu.vector_store %arg6[%swap3A_220], %gather3A_219 {strides = array<i32>} : memref<6400xi32, #tpu.memory_space<vmem>>, vector<16xi32>,
    %iota3A_222 = tpu.iota {dimensions = array<i32: 0>} : vector<16xi32>
    %add3A_223 = arith.constant 48 : i32
    %add3A_224 = vector.broadcast %add3A_223 : i32 to vector<16xi32>
    %add3A_225 = arith.addi %iota3A_222, %add3A_224 : vector<16xi32>
    %gather3A_226 = tpu.vector_load_idx %arg5[%add3A_225, %add3A_200] : memref<128x50xi32, #tpu.memory_space<vmem>>[vector<16xi32>, vector<16xi32>], vector<16xi32>,
    %swap3A_227 = arith.constant 432 : index
    %swap3A_228 = tpu.vector_load %arg6[%swap3A_227] {strides = array<i32>} : memref<6400xi32, #tpu.memory_space<vmem>>, vector<16xi32>,
    tpu.vector_store %arg6[%swap3A_227], %gather3A_226 {strides = array<i32>} : memref<6400xi32, #tpu.memory_space<vmem>>, vector<16xi32>,
    %iota3A_229 = tpu.iota {dimensions = array<i32: 0>} : vector<16xi32>
    %add3A_230 = arith.constant 64 : i32
    %add3A_231 = vector.broadcast %add3A_230 : i32 to vector<16xi32>
    %add3A_232 = arith.addi %iota3A_229, %add3A_231 : vector<16xi32>
    %gather3A_233 = tpu.vector_load_idx %arg5[%add3A_232, %add3A_200] : memref<128x50xi32, #tpu.memory_space<vmem>>[vector<16xi32>, vector<16xi32>], vector<16xi32>,
    %swap3A_234 = arith.constant 448 : index
    %swap3A_235 = tpu.vector_load %arg6[%swap3A_234] {strides = array<i32>} : memref<6400xi32, #tpu.memory_space<vmem>>, vector<16xi32>,
    tpu.vector_store %arg6[%swap3A_234], %gather3A_233 {strides = array<i32>} : memref<6400xi32, #tpu.memory_space<vmem>>, vector<16xi32>,
    %iota3A_236 = tpu.iota {dimensions = array<i32: 0>} : vector<16xi32>
    %add3A_237 = arith.constant 80 : i32
    %add3A_238 = vector.broadcast %add3A_237 : i32 to vector<16xi32>
    %add3A_239 = arith.addi %iota3A_236, %add3A_238 : vector<16xi32>
    %gather3A_240 = tpu.vector_load_idx %arg5[%add3A_239, %add3A_200] : memref<128x50xi32, #tpu.memory_space<vmem>>[vector<16xi32>, vector<16xi32>], vector<16xi32>,
    %swap3A_241 = arith.constant 464 : index
    %swap3A_242 = tpu.vector_load %arg6[%swap3A_241] {strides = array<i32>} : memref<6400xi32, #tpu.memory_space<vmem>>, vector<16xi32>,
    tpu.vector_store %arg6[%swap3A_241], %gather3A_240 {strides = array<i32>} : memref<6400xi32, #tpu.memory_space<vmem>>, vector<16xi32>,
    %iota3A_243 = tpu.iota {dimensions = array<i32: 0>} : vector<16xi32>
    %add3A_244 = arith.constant 96 : i32
    %add3A_245 = vector.broadcast %add3A_244 : i32 to vector<16xi32>
    %add3A_246 = arith.addi %iota3A_243, %add3A_245 : vector<16xi32>
    %gather3A_247 = tpu.vector_load_idx %arg5[%add3A_246, %add3A_200] : memref<128x50xi32, #tpu.memory_space<vmem>>[vector<16xi32>, vector<16xi32>], vector<16xi32>,
    %swap3A_248 = arith.constant 480 : index
    %swap3A_249 = tpu.vector_load %arg6[%swap3A_248] {strides = array<i32>} : memref<6400xi32, #tpu.memory_space<vmem>>, vector<16xi32>,
    tpu.vector_store %arg6[%swap3A_248], %gather3A_247 {strides = array<i32>} : memref<6400xi32, #tpu.memory_space<vmem>>, vector<16xi32>,
    %iota3A_250 = tpu.iota {dimensions = array<i32: 0>} : vector<16xi32>
    %add3A_251 = arith.constant 112 : i32
    %add3A_252 = vector.broadcast %add3A_251 : i32 to vector<16xi32>
    %add3A_253 = arith.addi %iota3A_250, %add3A_252 : vector<16xi32>
    %gather3A_254 = tpu.vector_load_idx %arg5[%add3A_253, %add3A_200] : memref<128x50xi32, #tpu.memory_space<vmem>>[vector<16xi32>, vector<16xi32>], vector<16xi32>,
    %swap3A_255 = arith.constant 496 : index
    %swap3A_256 = tpu.vector_load %arg6[%swap3A_255] {strides = array<i32>} : memref<6400xi32, #tpu.memory_space<vmem>>, vector<16xi32>,
    tpu.vector_store %arg6[%swap3A_255], %gather3A_254 {strides = array<i32>} : memref<6400xi32, #tpu.memory_space<vmem>>, vector<16xi32>,
    %dma_start3A_257 = arith.constant 384 : i32
    %dma_start3A_258 = tpu.memref_slice %arg6[%dma_start3A_257] : memref<6400xi32, #tpu.memory_space<vmem>> -> memref<128xi32, #tpu.memory_space<vmem>>
    %dma_start3A_259 = arith.constant 0 : i32
    %dma_start3A_260 = arith.constant 0 : i32
    %dma_start3A_261 = tpu.memref_slice %arg3[%dma_start3A_259, %dma_start3A_260] : memref<100000x128xf32, #tpu.memory_space<hbm>> -> memref<100000x128xf32, #tpu.memory_space<hbm>>
    tpu.enqueue_indirect_dma source(%dma_start3A_261 : memref<100000x128xf32, #tpu.memory_space<hbm>>) target(%arg10 : memref<128x128xf32, #tpu.memory_space<vmem>>) offsets(%dma_start3A_258 : memref<128xi32, #tpu.memory_space<vmem>>) semaphore(%arg16 : memref<!tpu.dma_semaphore, #tpu.memory_space<semaphore_mem>>)
    %broadcast_in_dim3A_262 = arith.constant 0 : i32
    %broadcast_in_dim3A_263 = vector.broadcast %broadcast_in_dim3A_262 : i32 to vector<16xi32>
    %add3A_264 = arith.constant 4 : i32
    %add3A_265 = vector.broadcast %add3A_264 : i32 to vector<16xi32>
    %add3A_266 = arith.addi %broadcast_in_dim3A_263, %add3A_265 : vector<16xi32>
    %iota3A_267 = tpu.iota {dimensions = array<i32: 0>} : vector<16xi32>
    %add3A_268 = arith.constant 0 : i32
    %add3A_269 = vector.broadcast %add3A_268 : i32 to vector<16xi32>
    %add3A_270 = arith.addi %iota3A_267, %add3A_269 : vector<16xi32>
    %gather3A_271 = tpu.vector_load_idx %arg5[%add3A_270, %add3A_266] : memref<128x50xi32, #tpu.memory_space<vmem>>[vector<16xi32>, vector<16xi32>], vector<16xi32>,
    %swap3A_272 = arith.constant 512 : index
    %swap3A_273 = tpu.vector_load %arg6[%swap3A_272] {strides = array<i32>} : memref<6400xi32, #tpu.memory_space<vmem>>, vector<16xi32>,
    tpu.vector_store %arg6[%swap3A_272], %gather3A_271 {strides = array<i32>} : memref<6400xi32, #tpu.memory_space<vmem>>, vector<16xi32>,
    %iota3A_274 = tpu.iota {dimensions = array<i32: 0>} : vector<16xi32>
    %add3A_275 = arith.constant 16 : i32
    %add3A_276 = vector.broadcast %add3A_275 : i32 to vector<16xi32>
    %add3A_277 = arith.addi %iota3A_274, %add3A_276 : vector<16xi32>
    %gather3A_278 = tpu.vector_load_idx %arg5[%add3A_277, %add3A_266] : memref<128x50xi32, #tpu.memory_space<vmem>>[vector<16xi32>, vector<16xi32>], vector<16xi32>,
    %swap3A_279 = arith.constant 528 : index
    %swap3A_280 = tpu.vector_load %arg6[%swap3A_279] {strides = array<i32>} : memref<6400xi32, #tpu.memory_space<vmem>>, vector<16xi32>,
    tpu.vector_store %arg6[%swap3A_279], %gather3A_278 {strides = array<i32>} : memref<6400xi32, #tpu.memory_space<vmem>>, vector<16xi32>,
    %iota3A_281 = tpu.iota {dimensions = array<i32: 0>} : vector<16xi32>
    %add3A_282 = arith.constant 32 : i32
    %add3A_283 = vector.broadcast %add3A_282 : i32 to vector<16xi32>
    %add3A_284 = arith.addi %iota3A_281, %add3A_283 : vector<16xi32>
    %gather3A_285 = tpu.vector_load_idx %arg5[%add3A_284, %add3A_266] : memref<128x50xi32, #tpu.memory_space<vmem>>[vector<16xi32>, vector<16xi32>], vector<16xi32>,
    %swap3A_286 = arith.constant 544 : index
    %swap3A_287 = tpu.vector_load %arg6[%swap3A_286] {strides = array<i32>} : memref<6400xi32, #tpu.memory_space<vmem>>, vector<16xi32>,
    tpu.vector_store %arg6[%swap3A_286], %gather3A_285 {strides = array<i32>} : memref<6400xi32, #tpu.memory_space<vmem>>, vector<16xi32>,
    %iota3A_288 = tpu.iota {dimensions = array<i32: 0>} : vector<16xi32>
    %add3A_289 = arith.constant 48 : i32
    %add3A_290 = vector.broadcast %add3A_289 : i32 to vector<16xi32>
    %add3A_291 = arith.addi %iota3A_288, %add3A_290 : vector<16xi32>
    %gather3A_292 = tpu.vector_load_idx %arg5[%add3A_291, %add3A_266] : memref<128x50xi32, #tpu.memory_space<vmem>>[vector<16xi32>, vector<16xi32>], vector<16xi32>,
    %swap3A_293 = arith.constant 560 : index
    %swap3A_294 = tpu.vector_load %arg6[%swap3A_293] {strides = array<i32>} : memref<6400xi32, #tpu.memory_space<vmem>>, vector<16xi32>,
    tpu.vector_store %arg6[%swap3A_293], %gather3A_292 {strides = array<i32>} : memref<6400xi32, #tpu.memory_space<vmem>>, vector<16xi32>,
    %iota3A_295 = tpu.iota {dimensions = array<i32: 0>} : vector<16xi32>
    %add3A_296 = arith.constant 64 : i32
    %add3A_297 = vector.broadcast %add3A_296 : i32 to vector<16xi32>
    %add3A_298 = arith.addi %iota3A_295, %add3A_297 : vector<16xi32>
    %gather3A_299 = tpu.vector_load_idx %arg5[%add3A_298, %add3A_266] : memref<128x50xi32, #tpu.memory_space<vmem>>[vector<16xi32>, vector<16xi32>], vector<16xi32>,
    %swap3A_300 = arith.constant 576 : index
    %swap3A_301 = tpu.vector_load %arg6[%swap3A_300] {strides = array<i32>} : memref<6400xi32, #tpu.memory_space<vmem>>, vector<16xi32>,
    tpu.vector_store %arg6[%swap3A_300], %gather3A_299 {strides = array<i32>} : memref<6400xi32, #tpu.memory_space<vmem>>, vector<16xi32>,
    %iota3A_302 = tpu.iota {dimensions = array<i32: 0>} : vector<16xi32>
    %add3A_303 = arith.constant 80 : i32
    %add3A_304 = vector.broadcast %add3A_303 : i32 to vector<16xi32>
    %add3A_305 = arith.addi %iota3A_302, %add3A_304 : vector<16xi32>
    %gather3A_306 = tpu.vector_load_idx %arg5[%add3A_305, %add3A_266] : memref<128x50xi32, #tpu.memory_space<vmem>>[vector<16xi32>, vector<16xi32>], vector<16xi32>,
    %swap3A_307 = arith.constant 592 : index
    %swap3A_308 = tpu.vector_load %arg6[%swap3A_307] {strides = array<i32>} : memref<6400xi32, #tpu.memory_space<vmem>>, vector<16xi32>,
    tpu.vector_store %arg6[%swap3A_307], %gather3A_306 {strides = array<i32>} : memref<6400xi32, #tpu.memory_space<vmem>>, vector<16xi32>,
    %iota3A_309 = tpu.iota {dimensions = array<i32: 0>} : vector<16xi32>
    %add3A_310 = arith.constant 96 : i32
    %add3A_311 = vector.broadcast %add3A_310 : i32 to vector<16xi32>
    %add3A_312 = arith.addi %iota3A_309, %add3A_311 : vector<16xi32>
    %gather3A_313 = tpu.vector_load_idx %arg5[%add3A_312, %add3A_266] : memref<128x50xi32, #tpu.memory_space<vmem>>[vector<16xi32>, vector<16xi32>], vector<16xi32>,
    %swap3A_314 = arith.constant 608 : index
    %swap3A_315 = tpu.vector_load %arg6[%swap3A_314] {strides = array<i32>} : memref<6400xi32, #tpu.memory_space<vmem>>, vector<16xi32>,
    tpu.vector_store %arg6[%swap3A_314], %gather3A_313 {strides = array<i32>} : memref<6400xi32, #tpu.memory_space<vmem>>, vector<16xi32>,
    %iota3A_316 = tpu.iota {dimensions = array<i32: 0>} : vector<16xi32>
    %add3A_317 = arith.constant 112 : i32
    %add3A_318 = vector.broadcast %add3A_317 : i32 to vector<16xi32>
    %add3A_319 = arith.addi %iota3A_316, %add3A_318 : vector<16xi32>
    %gather3A_320 = tpu.vector_load_idx %arg5[%add3A_319, %add3A_266] : memref<128x50xi32, #tpu.memory_space<vmem>>[vector<16xi32>, vector<16xi32>], vector<16xi32>,
    %swap3A_321 = arith.constant 624 : index
    %swap3A_322 = tpu.vector_load %arg6[%swap3A_321] {strides = array<i32>} : memref<6400xi32, #tpu.memory_space<vmem>>, vector<16xi32>,
    tpu.vector_store %arg6[%swap3A_321], %gather3A_320 {strides = array<i32>} : memref<6400xi32, #tpu.memory_space<vmem>>, vector<16xi32>,
    %dma_start3A_323 = arith.constant 512 : i32
    %dma_start3A_324 = tpu.memref_slice %arg6[%dma_start3A_323] : memref<6400xi32, #tpu.memory_space<vmem>> -> memref<128xi32, #tpu.memory_space<vmem>>
    %dma_start3A_325 = arith.constant 0 : i32
    %dma_start3A_326 = arith.constant 0 : i32
    %dma_start3A_327 = tpu.memref_slice %arg3[%dma_start3A_325, %dma_start3A_326] : memref<100000x128xf32, #tpu.memory_space<hbm>> -> memref<100000x128xf32, #tpu.memory_space<hbm>>
    tpu.enqueue_indirect_dma source(%dma_start3A_327 : memref<100000x128xf32, #tpu.memory_space<hbm>>) target(%arg11 : memref<128x128xf32, #tpu.memory_space<vmem>>) offsets(%dma_start3A_324 : memref<128xi32, #tpu.memory_space<vmem>>) semaphore(%arg17 : memref<!tpu.dma_semaphore, #tpu.memory_space<semaphore_mem>>)
    %broadcast_in_dim3A_328 = arith.constant 0 : i32
    %broadcast_in_dim3A_329 = vector.broadcast %broadcast_in_dim3A_328 : i32 to vector<16xi32>
    %add3A_330 = arith.constant 5 : i32
    %add3A_331 = vector.broadcast %add3A_330 : i32 to vector<16xi32>
    %add3A_332 = arith.addi %broadcast_in_dim3A_329, %add3A_331 : vector<16xi32>
    %iota3A_333 = tpu.iota {dimensions = array<i32: 0>} : vector<16xi32>
    %add3A_334 = arith.constant 0 : i32
    %add3A_335 = vector.broadcast %add3A_334 : i32 to vector<16xi32>
    %add3A_336 = arith.addi %iota3A_333, %add3A_335 : vector<16xi32>
    %gather3A_337 = tpu.vector_load_idx %arg5[%add3A_336, %add3A_332] : memref<128x50xi32, #tpu.memory_space<vmem>>[vector<16xi32>, vector<16xi32>], vector<16xi32>,
    %swap3A_338 = arith.constant 640 : index
    %swap3A_339 = tpu.vector_load %arg6[%swap3A_338] {strides = array<i32>} : memref<6400xi32, #tpu.memory_space<vmem>>, vector<16xi32>,
    tpu.vector_store %arg6[%swap3A_338], %gather3A_337 {strides = array<i32>} : memref<6400xi32, #tpu.memory_space<vmem>>, vector<16xi32>,
    %iota3A_340 = tpu.iota {dimensions = array<i32: 0>} : vector<16xi32>
    %add3A_341 = arith.constant 16 : i32
    %add3A_342 = vector.broadcast %add3A_341 : i32 to vector<16xi32>
    %add3A_343 = arith.addi %iota3A_340, %add3A_342 : vector<16xi32>
    %gather3A_344 = tpu.vector_load_idx %arg5[%add3A_343, %add3A_332] : memref<128x50xi32, #tpu.memory_space<vmem>>[vector<16xi32>, vector<16xi32>], vector<16xi32>,
    %swap3A_345 = arith.constant 656 : index
    %swap3A_346 = tpu.vector_load %arg6[%swap3A_345] {strides = array<i32>} : memref<6400xi32, #tpu.memory_space<vmem>>, vector<16xi32>,
    tpu.vector_store %arg6[%swap3A_345], %gather3A_344 {strides = array<i32>} : memref<6400xi32, #tpu.memory_space<vmem>>, vector<16xi32>,
    %iota3A_347 = tpu.iota {dimensions = array<i32: 0>} : vector<16xi32>
    %add3A_348 = arith.constant 32 : i32
    %add3A_349 = vector.broadcast %add3A_348 : i32 to vector<16xi32>
    %add3A_350 = arith.addi %iota3A_347, %add3A_349 : vector<16xi32>
    %gather3A_351 = tpu.vector_load_idx %arg5[%add3A_350, %add3A_332] : memref<128x50xi32, #tpu.memory_space<vmem>>[vector<16xi32>, vector<16xi32>], vector<16xi32>,
    %swap3A_352 = arith.constant 672 : index
    %swap3A_353 = tpu.vector_load %arg6[%swap3A_352] {strides = array<i32>} : memref<6400xi32, #tpu.memory_space<vmem>>, vector<16xi32>,
    tpu.vector_store %arg6[%swap3A_352], %gather3A_351 {strides = array<i32>} : memref<6400xi32, #tpu.memory_space<vmem>>, vector<16xi32>,
    %iota3A_354 = tpu.iota {dimensions = array<i32: 0>} : vector<16xi32>
    %add3A_355 = arith.constant 48 : i32
    %add3A_356 = vector.broadcast %add3A_355 : i32 to vector<16xi32>
    %add3A_357 = arith.addi %iota3A_354, %add3A_356 : vector<16xi32>
    %gather3A_358 = tpu.vector_load_idx %arg5[%add3A_357, %add3A_332] : memref<128x50xi32, #tpu.memory_space<vmem>>[vector<16xi32>, vector<16xi32>], vector<16xi32>,
    %swap3A_359 = arith.constant 688 : index
    %swap3A_360 = tpu.vector_load %arg6[%swap3A_359] {strides = array<i32>} : memref<6400xi32, #tpu.memory_space<vmem>>, vector<16xi32>,
    tpu.vector_store %arg6[%swap3A_359], %gather3A_358 {strides = array<i32>} : memref<6400xi32, #tpu.memory_space<vmem>>, vector<16xi32>,
    %iota3A_361 = tpu.iota {dimensions = array<i32: 0>} : vector<16xi32>
    %add3A_362 = arith.constant 64 : i32
    %add3A_363 = vector.broadcast %add3A_362 : i32 to vector<16xi32>
    %add3A_364 = arith.addi %iota3A_361, %add3A_363 : vector<16xi32>
    %gather3A_365 = tpu.vector_load_idx %arg5[%add3A_364, %add3A_332] : memref<128x50xi32, #tpu.memory_space<vmem>>[vector<16xi32>, vector<16xi32>], vector<16xi32>,
    %swap3A_366 = arith.constant 704 : index
    %swap3A_367 = tpu.vector_load %arg6[%swap3A_366] {strides = array<i32>} : memref<6400xi32, #tpu.memory_space<vmem>>, vector<16xi32>,
    tpu.vector_store %arg6[%swap3A_366], %gather3A_365 {strides = array<i32>} : memref<6400xi32, #tpu.memory_space<vmem>>, vector<16xi32>,
    %iota3A_368 = tpu.iota {dimensions = array<i32: 0>} : vector<16xi32>
    %add3A_369 = arith.constant 80 : i32
    %add3A_370 = vector.broadcast %add3A_369 : i32 to vector<16xi32>
    %add3A_371 = arith.addi %iota3A_368, %add3A_370 : vector<16xi32>
    %gather3A_372 = tpu.vector_load_idx %arg5[%add3A_371, %add3A_332] : memref<128x50xi32, #tpu.memory_space<vmem>>[vector<16xi32>, vector<16xi32>], vector<16xi32>,
    %swap3A_373 = arith.constant 720 : index
    %swap3A_374 = tpu.vector_load %arg6[%swap3A_373] {strides = array<i32>} : memref<6400xi32, #tpu.memory_space<vmem>>, vector<16xi32>,
    tpu.vector_store %arg6[%swap3A_373], %gather3A_372 {strides = array<i32>} : memref<6400xi32, #tpu.memory_space<vmem>>, vector<16xi32>,
    %iota3A_375 = tpu.iota {dimensions = array<i32: 0>} : vector<16xi32>
    %add3A_376 = arith.constant 96 : i32
    %add3A_377 = vector.broadcast %add3A_376 : i32 to vector<16xi32>
    %add3A_378 = arith.addi %iota3A_375, %add3A_377 : vector<16xi32>
    %gather3A_379 = tpu.vector_load_idx %arg5[%add3A_378, %add3A_332] : memref<128x50xi32, #tpu.memory_space<vmem>>[vector<16xi32>, vector<16xi32>], vector<16xi32>,
    %swap3A_380 = arith.constant 736 : index
    %swap3A_381 = tpu.vector_load %arg6[%swap3A_380] {strides = array<i32>} : memref<6400xi32, #tpu.memory_space<vmem>>, vector<16xi32>,
    tpu.vector_store %arg6[%swap3A_380], %gather3A_379 {strides = array<i32>} : memref<6400xi32, #tpu.memory_space<vmem>>, vector<16xi32>,
    %iota3A_382 = tpu.iota {dimensions = array<i32: 0>} : vector<16xi32>
    %add3A_383 = arith.constant 112 : i32
    %add3A_384 = vector.broadcast %add3A_383 : i32 to vector<16xi32>
    %add3A_385 = arith.addi %iota3A_382, %add3A_384 : vector<16xi32>
    %gather3A_386 = tpu.vector_load_idx %arg5[%add3A_385, %add3A_332] : memref<128x50xi32, #tpu.memory_space<vmem>>[vector<16xi32>, vector<16xi32>], vector<16xi32>,
    %swap3A_387 = arith.constant 752 : index
    %swap3A_388 = tpu.vector_load %arg6[%swap3A_387] {strides = array<i32>} : memref<6400xi32, #tpu.memory_space<vmem>>, vector<16xi32>,
    tpu.vector_store %arg6[%swap3A_387], %gather3A_386 {strides = array<i32>} : memref<6400xi32, #tpu.memory_space<vmem>>, vector<16xi32>,
    %dma_start3A_389 = arith.constant 640 : i32
    %dma_start3A_390 = tpu.memref_slice %arg6[%dma_start3A_389] : memref<6400xi32, #tpu.memory_space<vmem>> -> memref<128xi32, #tpu.memory_space<vmem>>
    %dma_start3A_391 = arith.constant 0 : i32
    %dma_start3A_392 = arith.constant 0 : i32
    %dma_start3A_393 = tpu.memref_slice %arg3[%dma_start3A_391, %dma_start3A_392] : memref<100000x128xf32, #tpu.memory_space<hbm>> -> memref<100000x128xf32, #tpu.memory_space<hbm>>
    tpu.enqueue_indirect_dma source(%dma_start3A_393 : memref<100000x128xf32, #tpu.memory_space<hbm>>) target(%arg12 : memref<128x128xf32, #tpu.memory_space<vmem>>) offsets(%dma_start3A_390 : memref<128xi32, #tpu.memory_space<vmem>>) semaphore(%arg18 : memref<!tpu.dma_semaphore, #tpu.memory_space<semaphore_mem>>)
    %scan3A = arith.constant 0 : i32
    %scan3A_394 = arith.constant 44 : i32
    %scan3A_395 = arith.addi %scan3A, %scan3A_394 : i32
    %scan3A_396 = arith.constant 1 : i32
    scf.for %scan3A_457 = %scan3A to %scan3A_395 step %scan3A_396  : i32 {
      %mul3A_458 = arith.constant 1 : i32
      %mul3A_459 = arith.muli %scan3A_457, %mul3A_458 : i32
      %add3A_460 = arith.constant 6 : i32
      %add3A_461 = arith.addi %add3A_460, %mul3A_459 : i32
      %broadcast_in_dim3A_462 = arith.constant 0 : i32
      %broadcast_in_dim3A_463 = vector.broadcast %broadcast_in_dim3A_462 : i32 to vector<16xi32>
      %add3A_464 = vector.broadcast %add3A_461 : i32 to vector<16xi32>
      %add3A_465 = arith.addi %broadcast_in_dim3A_463, %add3A_464 : vector<16xi32>
      %iota3A_466 = tpu.iota {dimensions = array<i32: 0>} : vector<16xi32>
      %add3A_467 = arith.constant 0 : i32
      %add3A_468 = vector.broadcast %add3A_467 : i32 to vector<16xi32>
      %add3A_469 = arith.addi %iota3A_466, %add3A_468 : vector<16xi32>
      %gather3A_470 = tpu.vector_load_idx %arg5[%add3A_469, %add3A_465] : memref<128x50xi32, #tpu.memory_space<vmem>>[vector<16xi32>, vector<16xi32>], vector<16xi32>,
      %mul3A_471 = arith.constant 128 : i32
      %mul3A_472 = arith.muli %add3A_461, %mul3A_471 : i32
      %add3A_473 = arith.constant 0 : i32
      %add3A_474 = arith.addi %mul3A_472, %add3A_473 : i32
      %swap3A_475 = arith.index_cast %add3A_474 : i32 to index
      %swap3A_476 = tpu.vector_load %arg6[%swap3A_475] {strides = array<i32>} : memref<6400xi32, #tpu.memory_space<vmem>>, vector<16xi32>,
      tpu.vector_store %arg6[%swap3A_475], %gather3A_470 {strides = array<i32>} : memref<6400xi32, #tpu.memory_space<vmem>>, vector<16xi32>,
      %iota3A_477 = tpu.iota {dimensions = array<i32: 0>} : vector<16xi32>
      %add3A_478 = arith.constant 16 : i32
      %add3A_479 = vector.broadcast %add3A_478 : i32 to vector<16xi32>
      %add3A_480 = arith.addi %iota3A_477, %add3A_479 : vector<16xi32>
      %gather3A_481 = tpu.vector_load_idx %arg5[%add3A_480, %add3A_465] : memref<128x50xi32, #tpu.memory_space<vmem>>[vector<16xi32>, vector<16xi32>], vector<16xi32>,
      %mul3A_482 = arith.constant 128 : i32
      %mul3A_483 = arith.muli %add3A_461, %mul3A_482 : i32
      %add3A_484 = arith.constant 16 : i32
      %add3A_485 = arith.addi %mul3A_483, %add3A_484 : i32
      %swap3A_486 = arith.index_cast %add3A_485 : i32 to index
      %swap3A_487 = tpu.vector_load %arg6[%swap3A_486] {strides = array<i32>} : memref<6400xi32, #tpu.memory_space<vmem>>, vector<16xi32>,
      tpu.vector_store %arg6[%swap3A_486], %gather3A_481 {strides = array<i32>} : memref<6400xi32, #tpu.memory_space<vmem>>, vector<16xi32>,
      %iota3A_488 = tpu.iota {dimensions = array<i32: 0>} : vector<16xi32>
      %add3A_489 = arith.constant 32 : i32
      %add3A_490 = vector.broadcast %add3A_489 : i32 to vector<16xi32>
      %add3A_491 = arith.addi %iota3A_488, %add3A_490 : vector<16xi32>
      %gather3A_492 = tpu.vector_load_idx %arg5[%add3A_491, %add3A_465] : memref<128x50xi32, #tpu.memory_space<vmem>>[vector<16xi32>, vector<16xi32>], vector<16xi32>,
      %mul3A_493 = arith.constant 128 : i32
      %mul3A_494 = arith.muli %add3A_461, %mul3A_493 : i32
      %add3A_495 = arith.constant 32 : i32
      %add3A_496 = arith.addi %mul3A_494, %add3A_495 : i32
      %swap3A_497 = arith.index_cast %add3A_496 : i32 to index
      %swap3A_498 = tpu.vector_load %arg6[%swap3A_497] {strides = array<i32>} : memref<6400xi32, #tpu.memory_space<vmem>>, vector<16xi32>,
      tpu.vector_store %arg6[%swap3A_497], %gather3A_492 {strides = array<i32>} : memref<6400xi32, #tpu.memory_space<vmem>>, vector<16xi32>,
      %iota3A_499 = tpu.iota {dimensions = array<i32: 0>} : vector<16xi32>
      %add3A_500 = arith.constant 48 : i32
      %add3A_501 = vector.broadcast %add3A_500 : i32 to vector<16xi32>
      %add3A_502 = arith.addi %iota3A_499, %add3A_501 : vector<16xi32>
      %gather3A_503 = tpu.vector_load_idx %arg5[%add3A_502, %add3A_465] : memref<128x50xi32, #tpu.memory_space<vmem>>[vector<16xi32>, vector<16xi32>], vector<16xi32>,
      %mul3A_504 = arith.constant 128 : i32
      %mul3A_505 = arith.muli %add3A_461, %mul3A_504 : i32
      %add3A_506 = arith.constant 48 : i32
      %add3A_507 = arith.addi %mul3A_505, %add3A_506 : i32
      %swap3A_508 = arith.index_cast %add3A_507 : i32 to index
      %swap3A_509 = tpu.vector_load %arg6[%swap3A_508] {strides = array<i32>} : memref<6400xi32, #tpu.memory_space<vmem>>, vector<16xi32>,
      tpu.vector_store %arg6[%swap3A_508], %gather3A_503 {strides = array<i32>} : memref<6400xi32, #tpu.memory_space<vmem>>, vector<16xi32>,
      %iota3A_510 = tpu.iota {dimensions = array<i32: 0>} : vector<16xi32>
      %add3A_511 = arith.constant 64 : i32
      %add3A_512 = vector.broadcast %add3A_511 : i32 to vector<16xi32>
      %add3A_513 = arith.addi %iota3A_510, %add3A_512 : vector<16xi32>
      %gather3A_514 = tpu.vector_load_idx %arg5[%add3A_513, %add3A_465] : memref<128x50xi32, #tpu.memory_space<vmem>>[vector<16xi32>, vector<16xi32>], vector<16xi32>,
      %mul3A_515 = arith.constant 128 : i32
      %mul3A_516 = arith.muli %add3A_461, %mul3A_515 : i32
      %add3A_517 = arith.constant 64 : i32
      %add3A_518 = arith.addi %mul3A_516, %add3A_517 : i32
      %swap3A_519 = arith.index_cast %add3A_518 : i32 to index
      %swap3A_520 = tpu.vector_load %arg6[%swap3A_519] {strides = array<i32>} : memref<6400xi32, #tpu.memory_space<vmem>>, vector<16xi32>,
      tpu.vector_store %arg6[%swap3A_519], %gather3A_514 {strides = array<i32>} : memref<6400xi32, #tpu.memory_space<vmem>>, vector<16xi32>,
      %iota3A_521 = tpu.iota {dimensions = array<i32: 0>} : vector<16xi32>
      %add3A_522 = arith.constant 80 : i32
      %add3A_523 = vector.broadcast %add3A_522 : i32 to vector<16xi32>
      %add3A_524 = arith.addi %iota3A_521, %add3A_523 : vector<16xi32>
      %gather3A_525 = tpu.vector_load_idx %arg5[%add3A_524, %add3A_465] : memref<128x50xi32, #tpu.memory_space<vmem>>[vector<16xi32>, vector<16xi32>], vector<16xi32>,
      %mul3A_526 = arith.constant 128 : i32
      %mul3A_527 = arith.muli %add3A_461, %mul3A_526 : i32
      %add3A_528 = arith.constant 80 : i32
      %add3A_529 = arith.addi %mul3A_527, %add3A_528 : i32
      %swap3A_530 = arith.index_cast %add3A_529 : i32 to index
      %swap3A_531 = tpu.vector_load %arg6[%swap3A_530] {strides = array<i32>} : memref<6400xi32, #tpu.memory_space<vmem>>, vector<16xi32>,
      tpu.vector_store %arg6[%swap3A_530], %gather3A_525 {strides = array<i32>} : memref<6400xi32, #tpu.memory_space<vmem>>, vector<16xi32>,
      %iota3A_532 = tpu.iota {dimensions = array<i32: 0>} : vector<16xi32>
      %add3A_533 = arith.constant 96 : i32
      %add3A_534 = vector.broadcast %add3A_533 : i32 to vector<16xi32>
      %add3A_535 = arith.addi %iota3A_532, %add3A_534 : vector<16xi32>
      %gather3A_536 = tpu.vector_load_idx %arg5[%add3A_535, %add3A_465] : memref<128x50xi32, #tpu.memory_space<vmem>>[vector<16xi32>, vector<16xi32>], vector<16xi32>,
      %mul3A_537 = arith.constant 128 : i32
      %mul3A_538 = arith.muli %add3A_461, %mul3A_537 : i32
      %add3A_539 = arith.constant 96 : i32
      %add3A_540 = arith.addi %mul3A_538, %add3A_539 : i32
      %swap3A_541 = arith.index_cast %add3A_540 : i32 to index
      %swap3A_542 = tpu.vector_load %arg6[%swap3A_541] {strides = array<i32>} : memref<6400xi32, #tpu.memory_space<vmem>>, vector<16xi32>,
      tpu.vector_store %arg6[%swap3A_541], %gather3A_536 {strides = array<i32>} : memref<6400xi32, #tpu.memory_space<vmem>>, vector<16xi32>,
      %iota3A_543 = tpu.iota {dimensions = array<i32: 0>} : vector<16xi32>
      %add3A_544 = arith.constant 112 : i32
      %add3A_545 = vector.broadcast %add3A_544 : i32 to vector<16xi32>
      %add3A_546 = arith.addi %iota3A_543, %add3A_545 : vector<16xi32>
      %gather3A_547 = tpu.vector_load_idx %arg5[%add3A_546, %add3A_465] : memref<128x50xi32, #tpu.memory_space<vmem>>[vector<16xi32>, vector<16xi32>], vector<16xi32>,
      %mul3A_548 = arith.constant 128 : i32
      %mul3A_549 = arith.muli %add3A_461, %mul3A_548 : i32
      %add3A_550 = arith.constant 112 : i32
      %add3A_551 = arith.addi %mul3A_549, %add3A_550 : i32
      %swap3A_552 = arith.index_cast %add3A_551 : i32 to index
      %swap3A_553 = tpu.vector_load %arg6[%swap3A_552] {strides = array<i32>} : memref<6400xi32, #tpu.memory_space<vmem>>, vector<16xi32>,
      tpu.vector_store %arg6[%swap3A_552], %gather3A_547 {strides = array<i32>} : memref<6400xi32, #tpu.memory_space<vmem>>, vector<16xi32>,
    }
    %scan3A_397 = arith.constant 44 : i32
    %scan3A_398 = arith.constant 0 : i32
    %scan3A_399 = arith.constant 7 : i32
    %scan3A_400 = arith.addi %scan3A_398, %scan3A_399 : i32
    %scan3A_401 = arith.constant 1 : i32
    scf.for %scan3A_457 = %scan3A_398 to %scan3A_400 step %scan3A_401  : i32 {
      %mul3A_458 = arith.constant 6 : i32
      %mul3A_459 = arith.muli %scan3A_457, %mul3A_458 : i32
      %add3A_460 = arith.constant 6 : i32
      %add3A_461 = arith.addi %add3A_460, %mul3A_459 : i32
      %add3A_462 = arith.constant 0 : i32
      %add3A_463 = arith.addi %add3A_461, %add3A_462 : i32
      %mul3A_464 = arith.constant 128 : i32
      %mul3A_465 = arith.muli %add3A_463, %mul3A_464 : i32
      %dma_wait3A_466 = tpu.memref_slice %arg6[%mul3A_465] : memref<6400xi32, #tpu.memory_space<vmem>> -> memref<128xi32, #tpu.memory_space<vmem>>
      %dma_wait3A_467 = arith.constant 0 : i32
      %dma_wait3A_468 = arith.constant 0 : i32
      %dma_wait3A_469 = tpu.memref_slice %arg3[%dma_wait3A_467, %dma_wait3A_468] : memref<100000x128xf32, #tpu.memory_space<hbm>> -> memref<100000x128xf32, #tpu.memory_space<hbm>>
      tpu.wait_indirect_dma semaphore(%arg13 : memref<!tpu.dma_semaphore, #tpu.memory_space<semaphore_mem>>) src(%dma_wait3A_469 : memref<100000x128xf32, #tpu.memory_space<hbm>>) dst(%arg7 : memref<128x128xf32, #tpu.memory_space<vmem>>)
      %add3A_470 = arith.constant 0 : i32
      %add3A_471 = arith.addi %add3A_461, %add3A_470 : i32
      %mul3A_472 = arith.constant 128 : i32
      %mul3A_473 = arith.muli %add3A_471, %mul3A_472 : i32
      %dma_start3A_474 = tpu.memref_slice %arg6[%mul3A_473] : memref<6400xi32, #tpu.memory_space<vmem>> -> memref<128xi32, #tpu.memory_space<vmem>>
      %dma_start3A_475 = arith.constant 0 : i32
      %dma_start3A_476 = arith.constant 0 : i32
      %dma_start3A_477 = tpu.memref_slice %arg3[%dma_start3A_475, %dma_start3A_476] : memref<100000x128xf32, #tpu.memory_space<hbm>> -> memref<100000x128xf32, #tpu.memory_space<hbm>>
      tpu.enqueue_indirect_dma source(%dma_start3A_477 : memref<100000x128xf32, #tpu.memory_space<hbm>>) target(%arg7 : memref<128x128xf32, #tpu.memory_space<vmem>>) offsets(%dma_start3A_474 : memref<128xi32, #tpu.memory_space<vmem>>) semaphore(%arg13 : memref<!tpu.dma_semaphore, #tpu.memory_space<semaphore_mem>>) {add = true}
      %add3A_478 = arith.constant 1 : i32
      %add3A_479 = arith.addi %add3A_461, %add3A_478 : i32
      %mul3A_480 = arith.constant 128 : i32
      %mul3A_481 = arith.muli %add3A_479, %mul3A_480 : i32
      %dma_wait3A_482 = tpu.memref_slice %arg6[%mul3A_481] : memref<6400xi32, #tpu.memory_space<vmem>> -> memref<128xi32, #tpu.memory_space<vmem>>
      %dma_wait3A_483 = arith.constant 0 : i32
      %dma_wait3A_484 = arith.constant 0 : i32
      %dma_wait3A_485 = tpu.memref_slice %arg3[%dma_wait3A_483, %dma_wait3A_484] : memref<100000x128xf32, #tpu.memory_space<hbm>> -> memref<100000x128xf32, #tpu.memory_space<hbm>>
      tpu.wait_indirect_dma semaphore(%arg14 : memref<!tpu.dma_semaphore, #tpu.memory_space<semaphore_mem>>) src(%dma_wait3A_485 : memref<100000x128xf32, #tpu.memory_space<hbm>>) dst(%arg8 : memref<128x128xf32, #tpu.memory_space<vmem>>)
      %add3A_486 = arith.constant 1 : i32
      %add3A_487 = arith.addi %add3A_461, %add3A_486 : i32
      %mul3A_488 = arith.constant 128 : i32
      %mul3A_489 = arith.muli %add3A_487, %mul3A_488 : i32
      %dma_start3A_490 = tpu.memref_slice %arg6[%mul3A_489] : memref<6400xi32, #tpu.memory_space<vmem>> -> memref<128xi32, #tpu.memory_space<vmem>>
      %dma_start3A_491 = arith.constant 0 : i32
      %dma_start3A_492 = arith.constant 0 : i32
      %dma_start3A_493 = tpu.memref_slice %arg3[%dma_start3A_491, %dma_start3A_492] : memref<100000x128xf32, #tpu.memory_space<hbm>> -> memref<100000x128xf32, #tpu.memory_space<hbm>>
      tpu.enqueue_indirect_dma source(%dma_start3A_493 : memref<100000x128xf32, #tpu.memory_space<hbm>>) target(%arg8 : memref<128x128xf32, #tpu.memory_space<vmem>>) offsets(%dma_start3A_490 : memref<128xi32, #tpu.memory_space<vmem>>) semaphore(%arg14 : memref<!tpu.dma_semaphore, #tpu.memory_space<semaphore_mem>>) {add = true}
      %add3A_494 = arith.constant 2 : i32
      %add3A_495 = arith.addi %add3A_461, %add3A_494 : i32
      %mul3A_496 = arith.constant 128 : i32
      %mul3A_497 = arith.muli %add3A_495, %mul3A_496 : i32
      %dma_wait3A_498 = tpu.memref_slice %arg6[%mul3A_497] : memref<6400xi32, #tpu.memory_space<vmem>> -> memref<128xi32, #tpu.memory_space<vmem>>
      %dma_wait3A_499 = arith.constant 0 : i32
      %dma_wait3A_500 = arith.constant 0 : i32
      %dma_wait3A_501 = tpu.memref_slice %arg3[%dma_wait3A_499, %dma_wait3A_500] : memref<100000x128xf32, #tpu.memory_space<hbm>> -> memref<100000x128xf32, #tpu.memory_space<hbm>>
      tpu.wait_indirect_dma semaphore(%arg15 : memref<!tpu.dma_semaphore, #tpu.memory_space<semaphore_mem>>) src(%dma_wait3A_501 : memref<100000x128xf32, #tpu.memory_space<hbm>>) dst(%arg9 : memref<128x128xf32, #tpu.memory_space<vmem>>)
      %add3A_502 = arith.constant 2 : i32
      %add3A_503 = arith.addi %add3A_461, %add3A_502 : i32
      %mul3A_504 = arith.constant 128 : i32
      %mul3A_505 = arith.muli %add3A_503, %mul3A_504 : i32
      %dma_start3A_506 = tpu.memref_slice %arg6[%mul3A_505] : memref<6400xi32, #tpu.memory_space<vmem>> -> memref<128xi32, #tpu.memory_space<vmem>>
      %dma_start3A_507 = arith.constant 0 : i32
      %dma_start3A_508 = arith.constant 0 : i32
      %dma_start3A_509 = tpu.memref_slice %arg3[%dma_start3A_507, %dma_start3A_508] : memref<100000x128xf32, #tpu.memory_space<hbm>> -> memref<100000x128xf32, #tpu.memory_space<hbm>>
      tpu.enqueue_indirect_dma source(%dma_start3A_509 : memref<100000x128xf32, #tpu.memory_space<hbm>>) target(%arg9 : memref<128x128xf32, #tpu.memory_space<vmem>>) offsets(%dma_start3A_506 : memref<128xi32, #tpu.memory_space<vmem>>) semaphore(%arg15 : memref<!tpu.dma_semaphore, #tpu.memory_space<semaphore_mem>>) {add = true}
      %add3A_510 = arith.constant 3 : i32
      %add3A_511 = arith.addi %add3A_461, %add3A_510 : i32
      %mul3A_512 = arith.constant 128 : i32
      %mul3A_513 = arith.muli %add3A_511, %mul3A_512 : i32
      %dma_wait3A_514 = tpu.memref_slice %arg6[%mul3A_513] : memref<6400xi32, #tpu.memory_space<vmem>> -> memref<128xi32, #tpu.memory_space<vmem>>
      %dma_wait3A_515 = arith.constant 0 : i32
      %dma_wait3A_516 = arith.constant 0 : i32
      %dma_wait3A_517 = tpu.memref_slice %arg3[%dma_wait3A_515, %dma_wait3A_516] : memref<100000x128xf32, #tpu.memory_space<hbm>> -> memref<100000x128xf32, #tpu.memory_space<hbm>>
      tpu.wait_indirect_dma semaphore(%arg16 : memref<!tpu.dma_semaphore, #tpu.memory_space<semaphore_mem>>) src(%dma_wait3A_517 : memref<100000x128xf32, #tpu.memory_space<hbm>>) dst(%arg10 : memref<128x128xf32, #tpu.memory_space<vmem>>)
      %add3A_518 = arith.constant 3 : i32
      %add3A_519 = arith.addi %add3A_461, %add3A_518 : i32
      %mul3A_520 = arith.constant 128 : i32
      %mul3A_521 = arith.muli %add3A_519, %mul3A_520 : i32
      %dma_start3A_522 = tpu.memref_slice %arg6[%mul3A_521] : memref<6400xi32, #tpu.memory_space<vmem>> -> memref<128xi32, #tpu.memory_space<vmem>>
      %dma_start3A_523 = arith.constant 0 : i32
      %dma_start3A_524 = arith.constant 0 : i32
      %dma_start3A_525 = tpu.memref_slice %arg3[%dma_start3A_523, %dma_start3A_524] : memref<100000x128xf32, #tpu.memory_space<hbm>> -> memref<100000x128xf32, #tpu.memory_space<hbm>>
      tpu.enqueue_indirect_dma source(%dma_start3A_525 : memref<100000x128xf32, #tpu.memory_space<hbm>>) target(%arg10 : memref<128x128xf32, #tpu.memory_space<vmem>>) offsets(%dma_start3A_522 : memref<128xi32, #tpu.memory_space<vmem>>) semaphore(%arg16 : memref<!tpu.dma_semaphore, #tpu.memory_space<semaphore_mem>>) {add = true}
      %add3A_526 = arith.constant 4 : i32
      %add3A_527 = arith.addi %add3A_461, %add3A_526 : i32
      %mul3A_528 = arith.constant 128 : i32
      %mul3A_529 = arith.muli %add3A_527, %mul3A_528 : i32
      %dma_wait3A_530 = tpu.memref_slice %arg6[%mul3A_529] : memref<6400xi32, #tpu.memory_space<vmem>> -> memref<128xi32, #tpu.memory_space<vmem>>
      %dma_wait3A_531 = arith.constant 0 : i32
      %dma_wait3A_532 = arith.constant 0 : i32
      %dma_wait3A_533 = tpu.memref_slice %arg3[%dma_wait3A_531, %dma_wait3A_532] : memref<100000x128xf32, #tpu.memory_space<hbm>> -> memref<100000x128xf32, #tpu.memory_space<hbm>>
      tpu.wait_indirect_dma semaphore(%arg17 : memref<!tpu.dma_semaphore, #tpu.memory_space<semaphore_mem>>) src(%dma_wait3A_533 : memref<100000x128xf32, #tpu.memory_space<hbm>>) dst(%arg11 : memref<128x128xf32, #tpu.memory_space<vmem>>)
      %add3A_534 = arith.constant 4 : i32
      %add3A_535 = arith.addi %add3A_461, %add3A_534 : i32
      %mul3A_536 = arith.constant 128 : i32
      %mul3A_537 = arith.muli %add3A_535, %mul3A_536 : i32
      %dma_start3A_538 = tpu.memref_slice %arg6[%mul3A_537] : memref<6400xi32, #tpu.memory_space<vmem>> -> memref<128xi32, #tpu.memory_space<vmem>>
      %dma_start3A_539 = arith.constant 0 : i32
      %dma_start3A_540 = arith.constant 0 : i32
      %dma_start3A_541 = tpu.memref_slice %arg3[%dma_start3A_539, %dma_start3A_540] : memref<100000x128xf32, #tpu.memory_space<hbm>> -> memref<100000x128xf32, #tpu.memory_space<hbm>>
      tpu.enqueue_indirect_dma source(%dma_start3A_541 : memref<100000x128xf32, #tpu.memory_space<hbm>>) target(%arg11 : memref<128x128xf32, #tpu.memory_space<vmem>>) offsets(%dma_start3A_538 : memref<128xi32, #tpu.memory_space<vmem>>) semaphore(%arg17 : memref<!tpu.dma_semaphore, #tpu.memory_space<semaphore_mem>>) {add = true}
      %add3A_542 = arith.constant 5 : i32
      %add3A_543 = arith.addi %add3A_461, %add3A_542 : i32
      %mul3A_544 = arith.constant 128 : i32
      %mul3A_545 = arith.muli %add3A_543, %mul3A_544 : i32
      %dma_wait3A_546 = tpu.memref_slice %arg6[%mul3A_545] : memref<6400xi32, #tpu.memory_space<vmem>> -> memref<128xi32, #tpu.memory_space<vmem>>
      %dma_wait3A_547 = arith.constant 0 : i32
      %dma_wait3A_548 = arith.constant 0 : i32
      %dma_wait3A_549 = tpu.memref_slice %arg3[%dma_wait3A_547, %dma_wait3A_548] : memref<100000x128xf32, #tpu.memory_space<hbm>> -> memref<100000x128xf32, #tpu.memory_space<hbm>>
      tpu.wait_indirect_dma semaphore(%arg18 : memref<!tpu.dma_semaphore, #tpu.memory_space<semaphore_mem>>) src(%dma_wait3A_549 : memref<100000x128xf32, #tpu.memory_space<hbm>>) dst(%arg12 : memref<128x128xf32, #tpu.memory_space<vmem>>)
      %add3A_550 = arith.constant 5 : i32
      %add3A_551 = arith.addi %add3A_461, %add3A_550 : i32
      %mul3A_552 = arith.constant 128 : i32
      %mul3A_553 = arith.muli %add3A_551, %mul3A_552 : i32
      %dma_start3A_554 = tpu.memref_slice %arg6[%mul3A_553] : memref<6400xi32, #tpu.memory_space<vmem>> -> memref<128xi32, #tpu.memory_space<vmem>>
      %dma_start3A_555 = arith.constant 0 : i32
      %dma_start3A_556 = arith.constant 0 : i32
      %dma_start3A_557 = tpu.memref_slice %arg3[%dma_start3A_555, %dma_start3A_556] : memref<100000x128xf32, #tpu.memory_space<hbm>> -> memref<100000x128xf32, #tpu.memory_space<hbm>>
      tpu.enqueue_indirect_dma source(%dma_start3A_557 : memref<100000x128xf32, #tpu.memory_space<hbm>>) target(%arg12 : memref<128x128xf32, #tpu.memory_space<vmem>>) offsets(%dma_start3A_554 : memref<128xi32, #tpu.memory_space<vmem>>) semaphore(%arg18 : memref<!tpu.dma_semaphore, #tpu.memory_space<semaphore_mem>>) {add = true}
    }
    %scan3A_402 = arith.constant 7 : i32
    %dma_wait3A = arith.constant 6144 : i32
    %dma_wait3A_403 = tpu.memref_slice %arg6[%dma_wait3A] : memref<6400xi32, #tpu.memory_space<vmem>> -> memref<128xi32, #tpu.memory_space<vmem>>
    %dma_wait3A_404 = arith.constant 0 : i32
    %dma_wait3A_405 = arith.constant 0 : i32
    %dma_wait3A_406 = tpu.memref_slice %arg3[%dma_wait3A_404, %dma_wait3A_405] : memref<100000x128xf32, #tpu.memory_space<hbm>> -> memref<100000x128xf32, #tpu.memory_space<hbm>>
    tpu.wait_indirect_dma semaphore(%arg13 : memref<!tpu.dma_semaphore, #tpu.memory_space<semaphore_mem>>) src(%dma_wait3A_406 : memref<100000x128xf32, #tpu.memory_space<hbm>>) dst(%arg7 : memref<128x128xf32, #tpu.memory_space<vmem>>)
    %dma_start3A_407 = arith.constant 6144 : i32
    %dma_start3A_408 = tpu.memref_slice %arg6[%dma_start3A_407] : memref<6400xi32, #tpu.memory_space<vmem>> -> memref<128xi32, #tpu.memory_space<vmem>>
    %dma_start3A_409 = arith.constant 0 : i32
    %dma_start3A_410 = arith.constant 0 : i32
    %dma_start3A_411 = tpu.memref_slice %arg3[%dma_start3A_409, %dma_start3A_410] : memref<100000x128xf32, #tpu.memory_space<hbm>> -> memref<100000x128xf32, #tpu.memory_space<hbm>>
    tpu.enqueue_indirect_dma source(%dma_start3A_411 : memref<100000x128xf32, #tpu.memory_space<hbm>>) target(%arg7 : memref<128x128xf32, #tpu.memory_space<vmem>>) offsets(%dma_start3A_408 : memref<128xi32, #tpu.memory_space<vmem>>) semaphore(%arg13 : memref<!tpu.dma_semaphore, #tpu.memory_space<semaphore_mem>>) {add = true}
    %dma_wait3A_412 = arith.constant 6272 : i32
    %dma_wait3A_413 = tpu.memref_slice %arg6[%dma_wait3A_412] : memref<6400xi32, #tpu.memory_space<vmem>> -> memref<128xi32, #tpu.memory_space<vmem>>
    %dma_wait3A_414 = arith.constant 0 : i32
    %dma_wait3A_415 = arith.constant 0 : i32
    %dma_wait3A_416 = tpu.memref_slice %arg3[%dma_wait3A_414, %dma_wait3A_415] : memref<100000x128xf32, #tpu.memory_space<hbm>> -> memref<100000x128xf32, #tpu.memory_space<hbm>>
    tpu.wait_indirect_dma semaphore(%arg14 : memref<!tpu.dma_semaphore, #tpu.memory_space<semaphore_mem>>) src(%dma_wait3A_416 : memref<100000x128xf32, #tpu.memory_space<hbm>>) dst(%arg8 : memref<128x128xf32, #tpu.memory_space<vmem>>)
    %dma_start3A_417 = arith.constant 6272 : i32
    %dma_start3A_418 = tpu.memref_slice %arg6[%dma_start3A_417] : memref<6400xi32, #tpu.memory_space<vmem>> -> memref<128xi32, #tpu.memory_space<vmem>>
    %dma_start3A_419 = arith.constant 0 : i32
    %dma_start3A_420 = arith.constant 0 : i32
    %dma_start3A_421 = tpu.memref_slice %arg3[%dma_start3A_419, %dma_start3A_420] : memref<100000x128xf32, #tpu.memory_space<hbm>> -> memref<100000x128xf32, #tpu.memory_space<hbm>>
    tpu.enqueue_indirect_dma source(%dma_start3A_421 : memref<100000x128xf32, #tpu.memory_space<hbm>>) target(%arg8 : memref<128x128xf32, #tpu.memory_space<vmem>>) offsets(%dma_start3A_418 : memref<128xi32, #tpu.memory_space<vmem>>) semaphore(%arg14 : memref<!tpu.dma_semaphore, #tpu.memory_space<semaphore_mem>>) {add = true}
    %dma_wait3A_422 = arith.constant 0 : i32
    %dma_wait3A_423 = tpu.memref_slice %arg6[%dma_wait3A_422] : memref<6400xi32, #tpu.memory_space<vmem>> -> memref<128xi32, #tpu.memory_space<vmem>>
    %dma_wait3A_424 = arith.constant 0 : i32
    %dma_wait3A_425 = arith.constant 0 : i32
    %dma_wait3A_426 = tpu.memref_slice %arg3[%dma_wait3A_424, %dma_wait3A_425] : memref<100000x128xf32, #tpu.memory_space<hbm>> -> memref<100000x128xf32, #tpu.memory_space<hbm>>
    tpu.wait_indirect_dma semaphore(%arg13 : memref<!tpu.dma_semaphore, #tpu.memory_space<semaphore_mem>>) src(%dma_wait3A_426 : memref<100000x128xf32, #tpu.memory_space<hbm>>) dst(%arg7 : memref<128x128xf32, #tpu.memory_space<vmem>>)
    %dma_wait3A_427 = arith.constant 128 : i32
    %dma_wait3A_428 = tpu.memref_slice %arg6[%dma_wait3A_427] : memref<6400xi32, #tpu.memory_space<vmem>> -> memref<128xi32, #tpu.memory_space<vmem>>
    %dma_wait3A_429 = arith.constant 0 : i32
    %dma_wait3A_430 = arith.constant 0 : i32
    %dma_wait3A_431 = tpu.memref_slice %arg3[%dma_wait3A_429, %dma_wait3A_430] : memref<100000x128xf32, #tpu.memory_space<hbm>> -> memref<100000x128xf32, #tpu.memory_space<hbm>>
    tpu.wait_indirect_dma semaphore(%arg14 : memref<!tpu.dma_semaphore, #tpu.memory_space<semaphore_mem>>) src(%dma_wait3A_431 : memref<100000x128xf32, #tpu.memory_space<hbm>>) dst(%arg8 : memref<128x128xf32, #tpu.memory_space<vmem>>)
    %dma_wait3A_432 = arith.constant 256 : i32
    %dma_wait3A_433 = tpu.memref_slice %arg6[%dma_wait3A_432] : memref<6400xi32, #tpu.memory_space<vmem>> -> memref<128xi32, #tpu.memory_space<vmem>>
    %dma_wait3A_434 = arith.constant 0 : i32
    %dma_wait3A_435 = arith.constant 0 : i32
    %dma_wait3A_436 = tpu.memref_slice %arg3[%dma_wait3A_434, %dma_wait3A_435] : memref<100000x128xf32, #tpu.memory_space<hbm>> -> memref<100000x128xf32, #tpu.memory_space<hbm>>
    tpu.wait_indirect_dma semaphore(%arg15 : memref<!tpu.dma_semaphore, #tpu.memory_space<semaphore_mem>>) src(%dma_wait3A_436 : memref<100000x128xf32, #tpu.memory_space<hbm>>) dst(%arg9 : memref<128x128xf32, #tpu.memory_space<vmem>>)
    %dma_wait3A_437 = arith.constant 384 : i32
    %dma_wait3A_438 = tpu.memref_slice %arg6[%dma_wait3A_437] : memref<6400xi32, #tpu.memory_space<vmem>> -> memref<128xi32, #tpu.memory_space<vmem>>
    %dma_wait3A_439 = arith.constant 0 : i32
    %dma_wait3A_440 = arith.constant 0 : i32
    %dma_wait3A_441 = tpu.memref_slice %arg3[%dma_wait3A_439, %dma_wait3A_440] : memref<100000x128xf32, #tpu.memory_space<hbm>> -> memref<100000x128xf32, #tpu.memory_space<hbm>>
    tpu.wait_indirect_dma semaphore(%arg16 : memref<!tpu.dma_semaphore, #tpu.memory_space<semaphore_mem>>) src(%dma_wait3A_441 : memref<100000x128xf32, #tpu.memory_space<hbm>>) dst(%arg10 : memref<128x128xf32, #tpu.memory_space<vmem>>)
    %dma_wait3A_442 = arith.constant 512 : i32
    %dma_wait3A_443 = tpu.memref_slice %arg6[%dma_wait3A_442] : memref<6400xi32, #tpu.memory_space<vmem>> -> memref<128xi32, #tpu.memory_space<vmem>>
    %dma_wait3A_444 = arith.constant 0 : i32
    %dma_wait3A_445 = arith.constant 0 : i32
    %dma_wait3A_446 = tpu.memref_slice %arg3[%dma_wait3A_444, %dma_wait3A_445] : memref<100000x128xf32, #tpu.memory_space<hbm>> -> memref<100000x128xf32, #tpu.memory_space<hbm>>
    tpu.wait_indirect_dma semaphore(%arg17 : memref<!tpu.dma_semaphore, #tpu.memory_space<semaphore_mem>>) src(%dma_wait3A_446 : memref<100000x128xf32, #tpu.memory_space<hbm>>) dst(%arg11 : memref<128x128xf32, #tpu.memory_space<vmem>>)
    %dma_wait3A_447 = arith.constant 640 : i32
    %dma_wait3A_448 = tpu.memref_slice %arg6[%dma_wait3A_447] : memref<6400xi32, #tpu.memory_space<vmem>> -> memref<128xi32, #tpu.memory_space<vmem>>
    %dma_wait3A_449 = arith.constant 0 : i32
    %dma_wait3A_450 = arith.constant 0 : i32
    %dma_wait3A_451 = tpu.memref_slice %arg3[%dma_wait3A_449, %dma_wait3A_450] : memref<100000x128xf32, #tpu.memory_space<hbm>> -> memref<100000x128xf32, #tpu.memory_space<hbm>>
    tpu.wait_indirect_dma semaphore(%arg18 : memref<!tpu.dma_semaphore, #tpu.memory_space<semaphore_mem>>) src(%dma_wait3A_451 : memref<100000x128xf32, #tpu.memory_space<hbm>>) dst(%arg12 : memref<128x128xf32, #tpu.memory_space<vmem>>)
    %scan3A_452 = arith.constant 0 : i32
    %scan3A_453 = arith.constant 128 : i32
    %scan3A_454 = arith.addi %scan3A_452, %scan3A_453 : i32
    %scan3A_455 = arith.constant 1 : i32
    scf.for %scan3A_457 = %scan3A_452 to %scan3A_454 step %scan3A_455  : i32 {
      %mul3A_458 = arith.constant 1 : i32
      %mul3A_459 = arith.muli %scan3A_457, %mul3A_458 : i32
      %add3A_460 = arith.constant 0 : i32
      %add3A_461 = arith.addi %add3A_460, %mul3A_459 : i32
      %get3A = arith.index_cast %add3A_461 : i32 to index
      %get3A_462 = arith.constant 0 : index
      %get3A_463 = tpu.vector_load %arg7[%get3A, %get3A_462] {strides = array<i32>} : memref<128x128xf32, #tpu.memory_space<vmem>>, vector<16xf32>,
      %get3A_464 = arith.index_cast %add3A_461 : i32 to index
      %get3A_465 = arith.constant 0 : index
      %get3A_466 = tpu.vector_load %arg8[%get3A_464, %get3A_465] {strides = array<i32>} : memref<128x128xf32, #tpu.memory_space<vmem>>, vector<16xf32>,
      %add3A_467 = arith.addf %get3A_463, %get3A_466 : vector<16xf32>
      %get3A_468 = arith.index_cast %add3A_461 : i32 to index
      %get3A_469 = arith.constant 0 : index
      %get3A_470 = tpu.vector_load %arg9[%get3A_468, %get3A_469] {strides = array<i32>} : memref<128x128xf32, #tpu.memory_space<vmem>>, vector<16xf32>,
      %add3A_471 = arith.addf %add3A_467, %get3A_470 : vector<16xf32>
      %get3A_472 = arith.index_cast %add3A_461 : i32 to index
      %get3A_473 = arith.constant 0 : index
      %get3A_474 = tpu.vector_load %arg10[%get3A_472, %get3A_473] {strides = array<i32>} : memref<128x128xf32, #tpu.memory_space<vmem>>, vector<16xf32>,
      %add3A_475 = arith.addf %add3A_471, %get3A_474 : vector<16xf32>
      %get3A_476 = arith.index_cast %add3A_461 : i32 to index
      %get3A_477 = arith.constant 0 : index
      %get3A_478 = tpu.vector_load %arg11[%get3A_476, %get3A_477] {strides = array<i32>} : memref<128x128xf32, #tpu.memory_space<vmem>>, vector<16xf32>,
      %add3A_479 = arith.addf %add3A_475, %get3A_478 : vector<16xf32>
      %get3A_480 = arith.index_cast %add3A_461 : i32 to index
      %get3A_481 = arith.constant 0 : index
      %get3A_482 = tpu.vector_load %arg12[%get3A_480, %get3A_481] {strides = array<i32>} : memref<128x128xf32, #tpu.memory_space<vmem>>, vector<16xf32>,
      %add3A_483 = arith.addf %add3A_479, %get3A_482 : vector<16xf32>
      %mul3A_484 = arith.constant 2.000000e-02 : f32
      %mul3A_485 = vector.broadcast %mul3A_484 : f32 to vector<16xf32>
      %mul3A_486 = arith.mulf %add3A_483, %mul3A_485 : vector<16xf32>
      %swap3A_487 = arith.index_cast %add3A_461 : i32 to index
      %swap3A_488 = arith.constant 0 : index
      %swap3A_489 = tpu.vector_load %arg7[%swap3A_487, %swap3A_488] {strides = array<i32>} : memref<128x128xf32, #tpu.memory_space<vmem>>, vector<16xf32>,
      tpu.vector_store %arg7[%swap3A_487, %swap3A_488], %mul3A_486 {strides = array<i32>} : memref<128x128xf32, #tpu.memory_space<vmem>>, vector<16xf32>,
      %get3A_490 = arith.index_cast %add3A_461 : i32 to index
      %get3A_491 = arith.constant 16 : index
      %get3A_492 = tpu.vector_load %arg7[%get3A_490, %get3A_491] {strides = array<i32>} : memref<128x128xf32, #tpu.memory_space<vmem>>, vector<16xf32>,
      %get3A_493 = arith.index_cast %add3A_461 : i32 to index
      %get3A_494 = arith.constant 16 : index
      %get3A_495 = tpu.vector_load %arg8[%get3A_493, %get3A_494] {strides = array<i32>} : memref<128x128xf32, #tpu.memory_space<vmem>>, vector<16xf32>,
      %add3A_496 = arith.addf %get3A_492, %get3A_495 : vector<16xf32>
      %get3A_497 = arith.index_cast %add3A_461 : i32 to index
      %get3A_498 = arith.constant 16 : index
      %get3A_499 = tpu.vector_load %arg9[%get3A_497, %get3A_498] {strides = array<i32>} : memref<128x128xf32, #tpu.memory_space<vmem>>, vector<16xf32>,
      %add3A_500 = arith.addf %add3A_496, %get3A_499 : vector<16xf32>
      %get3A_501 = arith.index_cast %add3A_461 : i32 to index
      %get3A_502 = arith.constant 16 : index
      %get3A_503 = tpu.vector_load %arg10[%get3A_501, %get3A_502] {strides = array<i32>} : memref<128x128xf32, #tpu.memory_space<vmem>>, vector<16xf32>,
      %add3A_504 = arith.addf %add3A_500, %get3A_503 : vector<16xf32>
      %get3A_505 = arith.index_cast %add3A_461 : i32 to index
      %get3A_506 = arith.constant 16 : index
      %get3A_507 = tpu.vector_load %arg11[%get3A_505, %get3A_506] {strides = array<i32>} : memref<128x128xf32, #tpu.memory_space<vmem>>, vector<16xf32>,
      %add3A_508 = arith.addf %add3A_504, %get3A_507 : vector<16xf32>
      %get3A_509 = arith.index_cast %add3A_461 : i32 to index
      %get3A_510 = arith.constant 16 : index
      %get3A_511 = tpu.vector_load %arg12[%get3A_509, %get3A_510] {strides = array<i32>} : memref<128x128xf32, #tpu.memory_space<vmem>>, vector<16xf32>,
      %add3A_512 = arith.addf %add3A_508, %get3A_511 : vector<16xf32>
      %mul3A_513 = arith.constant 2.000000e-02 : f32
      %mul3A_514 = vector.broadcast %mul3A_513 : f32 to vector<16xf32>
      %mul3A_515 = arith.mulf %add3A_512, %mul3A_514 : vector<16xf32>
      %swap3A_516 = arith.index_cast %add3A_461 : i32 to index
      %swap3A_517 = arith.constant 16 : index
      %swap3A_518 = tpu.vector_load %arg7[%swap3A_516, %swap3A_517] {strides = array<i32>} : memref<128x128xf32, #tpu.memory_space<vmem>>, vector<16xf32>,
      tpu.vector_store %arg7[%swap3A_516, %swap3A_517], %mul3A_515 {strides = array<i32>} : memref<128x128xf32, #tpu.memory_space<vmem>>, vector<16xf32>,
      %get3A_519 = arith.index_cast %add3A_461 : i32 to index
      %get3A_520 = arith.constant 32 : index
      %get3A_521 = tpu.vector_load %arg7[%get3A_519, %get3A_520] {strides = array<i32>} : memref<128x128xf32, #tpu.memory_space<vmem>>, vector<16xf32>,
      %get3A_522 = arith.index_cast %add3A_461 : i32 to index
      %get3A_523 = arith.constant 32 : index
      %get3A_524 = tpu.vector_load %arg8[%get3A_522, %get3A_523] {strides = array<i32>} : memref<128x128xf32, #tpu.memory_space<vmem>>, vector<16xf32>,
      %add3A_525 = arith.addf %get3A_521, %get3A_524 : vector<16xf32>
      %get3A_526 = arith.index_cast %add3A_461 : i32 to index
      %get3A_527 = arith.constant 32 : index
      %get3A_528 = tpu.vector_load %arg9[%get3A_526, %get3A_527] {strides = array<i32>} : memref<128x128xf32, #tpu.memory_space<vmem>>, vector<16xf32>,
      %add3A_529 = arith.addf %add3A_525, %get3A_528 : vector<16xf32>
      %get3A_530 = arith.index_cast %add3A_461 : i32 to index
      %get3A_531 = arith.constant 32 : index
      %get3A_532 = tpu.vector_load %arg10[%get3A_530, %get3A_531] {strides = array<i32>} : memref<128x128xf32, #tpu.memory_space<vmem>>, vector<16xf32>,
      %add3A_533 = arith.addf %add3A_529, %get3A_532 : vector<16xf32>
      %get3A_534 = arith.index_cast %add3A_461 : i32 to index
      %get3A_535 = arith.constant 32 : index
      %get3A_536 = tpu.vector_load %arg11[%get3A_534, %get3A_535] {strides = array<i32>} : memref<128x128xf32, #tpu.memory_space<vmem>>, vector<16xf32>,
      %add3A_537 = arith.addf %add3A_533, %get3A_536 : vector<16xf32>
      %get3A_538 = arith.index_cast %add3A_461 : i32 to index
      %get3A_539 = arith.constant 32 : index
      %get3A_540 = tpu.vector_load %arg12[%get3A_538, %get3A_539] {strides = array<i32>} : memref<128x128xf32, #tpu.memory_space<vmem>>, vector<16xf32>,
      %add3A_541 = arith.addf %add3A_537, %get3A_540 : vector<16xf32>
      %mul3A_542 = arith.constant 2.000000e-02 : f32
      %mul3A_543 = vector.broadcast %mul3A_542 : f32 to vector<16xf32>
      %mul3A_544 = arith.mulf %add3A_541, %mul3A_543 : vector<16xf32>
      %swap3A_545 = arith.index_cast %add3A_461 : i32 to index
      %swap3A_546 = arith.constant 32 : index
      %swap3A_547 = tpu.vector_load %arg7[%swap3A_545, %swap3A_546] {strides = array<i32>} : memref<128x128xf32, #tpu.memory_space<vmem>>, vector<16xf32>,
      tpu.vector_store %arg7[%swap3A_545, %swap3A_546], %mul3A_544 {strides = array<i32>} : memref<128x128xf32, #tpu.memory_space<vmem>>, vector<16xf32>,
      %get3A_548 = arith.index_cast %add3A_461 : i32 to index
      %get3A_549 = arith.constant 48 : index
      %get3A_550 = tpu.vector_load %arg7[%get3A_548, %get3A_549] {strides = array<i32>} : memref<128x128xf32, #tpu.memory_space<vmem>>, vector<16xf32>,
      %get3A_551 = arith.index_cast %add3A_461 : i32 to index
      %get3A_552 = arith.constant 48 : index
      %get3A_553 = tpu.vector_load %arg8[%get3A_551, %get3A_552] {strides = array<i32>} : memref<128x128xf32, #tpu.memory_space<vmem>>, vector<16xf32>,
      %add3A_554 = arith.addf %get3A_550, %get3A_553 : vector<16xf32>
      %get3A_555 = arith.index_cast %add3A_461 : i32 to index
      %get3A_556 = arith.constant 48 : index
      %get3A_557 = tpu.vector_load %arg9[%get3A_555, %get3A_556] {strides = array<i32>} : memref<128x128xf32, #tpu.memory_space<vmem>>, vector<16xf32>,
      %add3A_558 = arith.addf %add3A_554, %get3A_557 : vector<16xf32>
      %get3A_559 = arith.index_cast %add3A_461 : i32 to index
      %get3A_560 = arith.constant 48 : index
      %get3A_561 = tpu.vector_load %arg10[%get3A_559, %get3A_560] {strides = array<i32>} : memref<128x128xf32, #tpu.memory_space<vmem>>, vector<16xf32>,
      %add3A_562 = arith.addf %add3A_558, %get3A_561 : vector<16xf32>
      %get3A_563 = arith.index_cast %add3A_461 : i32 to index
      %get3A_564 = arith.constant 48 : index
      %get3A_565 = tpu.vector_load %arg11[%get3A_563, %get3A_564] {strides = array<i32>} : memref<128x128xf32, #tpu.memory_space<vmem>>, vector<16xf32>,
      %add3A_566 = arith.addf %add3A_562, %get3A_565 : vector<16xf32>
      %get3A_567 = arith.index_cast %add3A_461 : i32 to index
      %get3A_568 = arith.constant 48 : index
      %get3A_569 = tpu.vector_load %arg12[%get3A_567, %get3A_568] {strides = array<i32>} : memref<128x128xf32, #tpu.memory_space<vmem>>, vector<16xf32>,
      %add3A_570 = arith.addf %add3A_566, %get3A_569 : vector<16xf32>
      %mul3A_571 = arith.constant 2.000000e-02 : f32
      %mul3A_572 = vector.broadcast %mul3A_571 : f32 to vector<16xf32>
      %mul3A_573 = arith.mulf %add3A_570, %mul3A_572 : vector<16xf32>
      %swap3A_574 = arith.index_cast %add3A_461 : i32 to index
      %swap3A_575 = arith.constant 48 : index
      %swap3A_576 = tpu.vector_load %arg7[%swap3A_574, %swap3A_575] {strides = array<i32>} : memref<128x128xf32, #tpu.memory_space<vmem>>, vector<16xf32>,
      tpu.vector_store %arg7[%swap3A_574, %swap3A_575], %mul3A_573 {strides = array<i32>} : memref<128x128xf32, #tpu.memory_space<vmem>>, vector<16xf32>,
      %get3A_577 = arith.index_cast %add3A_461 : i32 to index
      %get3A_578 = arith.constant 64 : index
      %get3A_579 = tpu.vector_load %arg7[%get3A_577, %get3A_578] {strides = array<i32>} : memref<128x128xf32, #tpu.memory_space<vmem>>, vector<16xf32>,
      %get3A_580 = arith.index_cast %add3A_461 : i32 to index
      %get3A_581 = arith.constant 64 : index
      %get3A_582 = tpu.vector_load %arg8[%get3A_580, %get3A_581] {strides = array<i32>} : memref<128x128xf32, #tpu.memory_space<vmem>>, vector<16xf32>,
      %add3A_583 = arith.addf %get3A_579, %get3A_582 : vector<16xf32>
      %get3A_584 = arith.index_cast %add3A_461 : i32 to index
      %get3A_585 = arith.constant 64 : index
      %get3A_586 = tpu.vector_load %arg9[%get3A_584, %get3A_585] {strides = array<i32>} : memref<128x128xf32, #tpu.memory_space<vmem>>, vector<16xf32>,
      %add3A_587 = arith.addf %add3A_583, %get3A_586 : vector<16xf32>
      %get3A_588 = arith.index_cast %add3A_461 : i32 to index
      %get3A_589 = arith.constant 64 : index
      %get3A_590 = tpu.vector_load %arg10[%get3A_588, %get3A_589] {strides = array<i32>} : memref<128x128xf32, #tpu.memory_space<vmem>>, vector<16xf32>,
      %add3A_591 = arith.addf %add3A_587, %get3A_590 : vector<16xf32>
      %get3A_592 = arith.index_cast %add3A_461 : i32 to index
      %get3A_593 = arith.constant 64 : index
      %get3A_594 = tpu.vector_load %arg11[%get3A_592, %get3A_593] {strides = array<i32>} : memref<128x128xf32, #tpu.memory_space<vmem>>, vector<16xf32>,
      %add3A_595 = arith.addf %add3A_591, %get3A_594 : vector<16xf32>
      %get3A_596 = arith.index_cast %add3A_461 : i32 to index
      %get3A_597 = arith.constant 64 : index
      %get3A_598 = tpu.vector_load %arg12[%get3A_596, %get3A_597] {strides = array<i32>} : memref<128x128xf32, #tpu.memory_space<vmem>>, vector<16xf32>,
      %add3A_599 = arith.addf %add3A_595, %get3A_598 : vector<16xf32>
      %mul3A_600 = arith.constant 2.000000e-02 : f32
      %mul3A_601 = vector.broadcast %mul3A_600 : f32 to vector<16xf32>
      %mul3A_602 = arith.mulf %add3A_599, %mul3A_601 : vector<16xf32>
      %swap3A_603 = arith.index_cast %add3A_461 : i32 to index
      %swap3A_604 = arith.constant 64 : index
      %swap3A_605 = tpu.vector_load %arg7[%swap3A_603, %swap3A_604] {strides = array<i32>} : memref<128x128xf32, #tpu.memory_space<vmem>>, vector<16xf32>,
      tpu.vector_store %arg7[%swap3A_603, %swap3A_604], %mul3A_602 {strides = array<i32>} : memref<128x128xf32, #tpu.memory_space<vmem>>, vector<16xf32>,
      %get3A_606 = arith.index_cast %add3A_461 : i32 to index
      %get3A_607 = arith.constant 80 : index
      %get3A_608 = tpu.vector_load %arg7[%get3A_606, %get3A_607] {strides = array<i32>} : memref<128x128xf32, #tpu.memory_space<vmem>>, vector<16xf32>,
      %get3A_609 = arith.index_cast %add3A_461 : i32 to index
      %get3A_610 = arith.constant 80 : index
      %get3A_611 = tpu.vector_load %arg8[%get3A_609, %get3A_610] {strides = array<i32>} : memref<128x128xf32, #tpu.memory_space<vmem>>, vector<16xf32>,
      %add3A_612 = arith.addf %get3A_608, %get3A_611 : vector<16xf32>
      %get3A_613 = arith.index_cast %add3A_461 : i32 to index
      %get3A_614 = arith.constant 80 : index
      %get3A_615 = tpu.vector_load %arg9[%get3A_613, %get3A_614] {strides = array<i32>} : memref<128x128xf32, #tpu.memory_space<vmem>>, vector<16xf32>,
      %add3A_616 = arith.addf %add3A_612, %get3A_615 : vector<16xf32>
      %get3A_617 = arith.index_cast %add3A_461 : i32 to index
      %get3A_618 = arith.constant 80 : index
      %get3A_619 = tpu.vector_load %arg10[%get3A_617, %get3A_618] {strides = array<i32>} : memref<128x128xf32, #tpu.memory_space<vmem>>, vector<16xf32>,
      %add3A_620 = arith.addf %add3A_616, %get3A_619 : vector<16xf32>
      %get3A_621 = arith.index_cast %add3A_461 : i32 to index
      %get3A_622 = arith.constant 80 : index
      %get3A_623 = tpu.vector_load %arg11[%get3A_621, %get3A_622] {strides = array<i32>} : memref<128x128xf32, #tpu.memory_space<vmem>>, vector<16xf32>,
      %add3A_624 = arith.addf %add3A_620, %get3A_623 : vector<16xf32>
      %get3A_625 = arith.index_cast %add3A_461 : i32 to index
      %get3A_626 = arith.constant 80 : index
      %get3A_627 = tpu.vector_load %arg12[%get3A_625, %get3A_626] {strides = array<i32>} : memref<128x128xf32, #tpu.memory_space<vmem>>, vector<16xf32>,
      %add3A_628 = arith.addf %add3A_624, %get3A_627 : vector<16xf32>
      %mul3A_629 = arith.constant 2.000000e-02 : f32
      %mul3A_630 = vector.broadcast %mul3A_629 : f32 to vector<16xf32>
      %mul3A_631 = arith.mulf %add3A_628, %mul3A_630 : vector<16xf32>
      %swap3A_632 = arith.index_cast %add3A_461 : i32 to index
      %swap3A_633 = arith.constant 80 : index
      %swap3A_634 = tpu.vector_load %arg7[%swap3A_632, %swap3A_633] {strides = array<i32>} : memref<128x128xf32, #tpu.memory_space<vmem>>, vector<16xf32>,
      tpu.vector_store %arg7[%swap3A_632, %swap3A_633], %mul3A_631 {strides = array<i32>} : memref<128x128xf32, #tpu.memory_space<vmem>>, vector<16xf32>,
      %get3A_635 = arith.index_cast %add3A_461 : i32 to index
      %get3A_636 = arith.constant 96 : index
      %get3A_637 = tpu.vector_load %arg7[%get3A_635, %get3A_636] {strides = array<i32>} : memref<128x128xf32, #tpu.memory_space<vmem>>, vector<16xf32>,
      %get3A_638 = arith.index_cast %add3A_461 : i32 to index
      %get3A_639 = arith.constant 96 : index
      %get3A_640 = tpu.vector_load %arg8[%get3A_638, %get3A_639] {strides = array<i32>} : memref<128x128xf32, #tpu.memory_space<vmem>>, vector<16xf32>,
      %add3A_641 = arith.addf %get3A_637, %get3A_640 : vector<16xf32>
      %get3A_642 = arith.index_cast %add3A_461 : i32 to index
      %get3A_643 = arith.constant 96 : index
      %get3A_644 = tpu.vector_load %arg9[%get3A_642, %get3A_643] {strides = array<i32>} : memref<128x128xf32, #tpu.memory_space<vmem>>, vector<16xf32>,
      %add3A_645 = arith.addf %add3A_641, %get3A_644 : vector<16xf32>
      %get3A_646 = arith.index_cast %add3A_461 : i32 to index
      %get3A_647 = arith.constant 96 : index
      %get3A_648 = tpu.vector_load %arg10[%get3A_646, %get3A_647] {strides = array<i32>} : memref<128x128xf32, #tpu.memory_space<vmem>>, vector<16xf32>,
      %add3A_649 = arith.addf %add3A_645, %get3A_648 : vector<16xf32>
      %get3A_650 = arith.index_cast %add3A_461 : i32 to index
      %get3A_651 = arith.constant 96 : index
      %get3A_652 = tpu.vector_load %arg11[%get3A_650, %get3A_651] {strides = array<i32>} : memref<128x128xf32, #tpu.memory_space<vmem>>, vector<16xf32>,
      %add3A_653 = arith.addf %add3A_649, %get3A_652 : vector<16xf32>
      %get3A_654 = arith.index_cast %add3A_461 : i32 to index
      %get3A_655 = arith.constant 96 : index
      %get3A_656 = tpu.vector_load %arg12[%get3A_654, %get3A_655] {strides = array<i32>} : memref<128x128xf32, #tpu.memory_space<vmem>>, vector<16xf32>,
      %add3A_657 = arith.addf %add3A_653, %get3A_656 : vector<16xf32>
      %mul3A_658 = arith.constant 2.000000e-02 : f32
      %mul3A_659 = vector.broadcast %mul3A_658 : f32 to vector<16xf32>
      %mul3A_660 = arith.mulf %add3A_657, %mul3A_659 : vector<16xf32>
      %swap3A_661 = arith.index_cast %add3A_461 : i32 to index
      %swap3A_662 = arith.constant 96 : index
      %swap3A_663 = tpu.vector_load %arg7[%swap3A_661, %swap3A_662] {strides = array<i32>} : memref<128x128xf32, #tpu.memory_space<vmem>>, vector<16xf32>,
      tpu.vector_store %arg7[%swap3A_661, %swap3A_662], %mul3A_660 {strides = array<i32>} : memref<128x128xf32, #tpu.memory_space<vmem>>, vector<16xf32>,
      %get3A_664 = arith.index_cast %add3A_461 : i32 to index
      %get3A_665 = arith.constant 112 : index
      %get3A_666 = tpu.vector_load %arg7[%get3A_664, %get3A_665] {strides = array<i32>} : memref<128x128xf32, #tpu.memory_space<vmem>>, vector<16xf32>,
      %get3A_667 = arith.index_cast %add3A_461 : i32 to index
      %get3A_668 = arith.constant 112 : index
      %get3A_669 = tpu.vector_load %arg8[%get3A_667, %get3A_668] {strides = array<i32>} : memref<128x128xf32, #tpu.memory_space<vmem>>, vector<16xf32>,
      %add3A_670 = arith.addf %get3A_666, %get3A_669 : vector<16xf32>
      %get3A_671 = arith.index_cast %add3A_461 : i32 to index
      %get3A_672 = arith.constant 112 : index
      %get3A_673 = tpu.vector_load %arg9[%get3A_671, %get3A_672] {strides = array<i32>} : memref<128x128xf32, #tpu.memory_space<vmem>>, vector<16xf32>,
      %add3A_674 = arith.addf %add3A_670, %get3A_673 : vector<16xf32>
      %get3A_675 = arith.index_cast %add3A_461 : i32 to index
      %get3A_676 = arith.constant 112 : index
      %get3A_677 = tpu.vector_load %arg10[%get3A_675, %get3A_676] {strides = array<i32>} : memref<128x128xf32, #tpu.memory_space<vmem>>, vector<16xf32>,
      %add3A_678 = arith.addf %add3A_674, %get3A_677 : vector<16xf32>
      %get3A_679 = arith.index_cast %add3A_461 : i32 to index
      %get3A_680 = arith.constant 112 : index
      %get3A_681 = tpu.vector_load %arg11[%get3A_679, %get3A_680] {strides = array<i32>} : memref<128x128xf32, #tpu.memory_space<vmem>>, vector<16xf32>,
      %add3A_682 = arith.addf %add3A_678, %get3A_681 : vector<16xf32>
      %get3A_683 = arith.index_cast %add3A_461 : i32 to index
      %get3A_684 = arith.constant 112 : index
      %get3A_685 = tpu.vector_load %arg12[%get3A_683, %get3A_684] {strides = array<i32>} : memref<128x128xf32, #tpu.memory_space<vmem>>, vector<16xf32>,
      %add3A_686 = arith.addf %add3A_682, %get3A_685 : vector<16xf32>
      %mul3A_687 = arith.constant 2.000000e-02 : f32
      %mul3A_688 = vector.broadcast %mul3A_687 : f32 to vector<16xf32>
      %mul3A_689 = arith.mulf %add3A_686, %mul3A_688 : vector<16xf32>
      %swap3A_690 = arith.index_cast %add3A_461 : i32 to index
      %swap3A_691 = arith.constant 112 : index
      %swap3A_692 = tpu.vector_load %arg7[%swap3A_690, %swap3A_691] {strides = array<i32>} : memref<128x128xf32, #tpu.memory_space<vmem>>, vector<16xf32>,
      tpu.vector_store %arg7[%swap3A_690, %swap3A_691], %mul3A_689 {strides = array<i32>} : memref<128x128xf32, #tpu.memory_space<vmem>>, vector<16xf32>,
    }
    %scan3A_456 = arith.constant 128 : i32
    "tpu.region"() ({
      %run_scoped3A = tpu.sem_alloc : memref<!tpu.dma_semaphore, #tpu.memory_space<semaphore_mem>>
      %dma_start3A_457 = arith.constant 0 : i32
      %dma_start3A_458 = tpu.memref_slice %arg4[%mul3A_2, %dma_start3A_457] : memref<4096x128xf32, #tpu.memory_space<hbm>> -> memref<128x128xf32, #tpu.memory_space<hbm>>
      %dma_start3A_459 = arith.constant 0 : i32
      %dma_start3A_460 = tpu.memref_slice %arg4[%mul3A_2, %dma_start3A_459] : memref<4096x128xf32, #tpu.memory_space<hbm>> -> memref<128x128xf32, #tpu.memory_space<hbm>>
      tpu.enqueue_dma source(%arg7 : memref<128x128xf32, #tpu.memory_space<vmem>>) target(%dma_start3A_460 : memref<128x128xf32, #tpu.memory_space<hbm>>) target_semaphore(%run_scoped3A : memref<!tpu.dma_semaphore, #tpu.memory_space<semaphore_mem>>)
      %dma_wait3A_461 = arith.constant 0 : i32
      %dma_wait3A_462 = tpu.memref_slice %arg4[%mul3A_2, %dma_wait3A_461] : memref<4096x128xf32, #tpu.memory_space<hbm>> -> memref<128x128xf32, #tpu.memory_space<hbm>>
      %dma_wait3A_463 = arith.constant 0 : i32
      %dma_wait3A_464 = tpu.memref_slice %arg4[%mul3A_2, %dma_wait3A_463] : memref<4096x128xf32, #tpu.memory_space<hbm>> -> memref<128x128xf32, #tpu.memory_space<hbm>>
      tpu.wait_dma2 semaphore(%run_scoped3A : memref<!tpu.dma_semaphore, #tpu.memory_space<semaphore_mem>>) src(%arg7 : memref<128x128xf32, #tpu.memory_space<vmem>>) dst(%dma_wait3A_464 : memref<128x128xf32, #tpu.memory_space<hbm>>)
      tpu.yield
    }) : () -> ()
    return
  }
}

</mosaic_0001>

<sc_bundles>
// kernel: kernel.3.cloned.1.call-start
scs
__scs_entry_jumppad:
0x0: {  	(pc) =	sbr.rel $0x88, $3  }
0x1: {  	(tag) =	ssettag $0x0;
	lr =	simm.s32 $0x1  }
0x2: {  	[smem:$0x3F9F] =	sst lr;
	_ =	strace $0xD0000000  }
0x3: {  	_ = 	snop  }
0x4: {  	_ = 	snop  }
0x5: {  	_ = 	snop  }
0x6: {  	_ = 	snop  }
0x7: {  	_ = 	snop  }
__scs_overlays_trampoline_lowered:
0x8: {  	[smem:$0x3FAE] =	sst s0  }
0x9: {  	[smem:$0x3FAF] =	sst s1  }
0xa: {  	[smem:$0x3FB0] =	sst s2  }
0xb: {  	[smem:$0x3FB1] =	sst s3  }
0xc: {  	[smem:$0x3FB2] =	sst s4  }
0xd: {  	[smem:$0x3FB3] =	sst s5  }
0xe: {  	[smem:$0x3FB4] =	sst s6  }
0xf: {  	[smem:$0x3FB5] =	sst s7  }
0x10: {  	[smem:$0x3FB6] =	sst s8  }
0x11: {  	[smem:$0x3FB7] =	sst s9;
	s0 =	simm.s32 @!p0 $0x0  }
0x12: {  	s1 =	sld [smem:$0x3F9D];
	s0 =	simm.s32 @p0 $0x1  }
0x13: {  	[smem:$0x3FB8] =	sst s0;
	s0 =	simm.s32 @!p1 $0x0  }
0x14: {  	s2 =	sld [smem:$0x3F9C];
	s0 =	simm.s32 @p1 $0x1  }
0x15: {  	[smem:$0x3FB9] =	sst s0;
	s0 =	simm.s32 @!p2 $0x0  }
0x16: {  	s3 =	sld [smem:$0x3FDB];
	s0 =	simm.s32 @p2 $0x1  }
0x17: {  	s4 =	simm.s32 $0x1BF5;
	[smem:$0x3FBB] =	sst s0  }
0x18: {  	s0 =	sld [smem:$0x3F9E];
	_ =	swait.ge [sflag:s4], $0x0  }
0x19: {  	s7 =	sld [smem:$0x3F9F]  }
0x1a: {  	s8 =	sadd.s32 $0xFFFFE003, lr  }
0x1b: {  	s9 =	sadd.s32 $0xFFFFFEF7, lr;
	s5 =	simm.s32 $0xFFFFFFFF;
	p2 =	slt.u32 s8, $0xFFFFF086  }
0x1c: {  	p1 =	slt.u32 s9, $0xF7A;
	s5 =	simm.s32 @!p2 $0x0  }
0x1d: {  	s5 =	simm.s32 @p1 $0x1;
	p0 =	seq.s32 s7, s2  }
0x1e: {  	s7 =	smul.u32 @!p0 $0xF7A, s2;
	p2 =	seq.s32 @!p0 s5, $0x0  }
0x1f: {  	s9 =	smul.u32 $0xF7A, s1;
	s8 =	simm.s32 @!p0 $0x1BF5;
	p2 =	por !p2, p0  }
0x20: {  	[sflag:s8] =	ssyncset.s32 @!p0 $0xFFFFF086;
	s6 =	sadd.s32 @!p0 s3, s7;
	s7 =	simm.s32 @!p0 $0x108  }
0x21: {  	s3 =	sadd.s32 s3, s9;
	s6 =	sadd.s32 @!p0 $0x88, s6;
	s7 =	simm.s32 @p2 $0x1082  }
0x22: {  	[simem:s7], [sflag:s8] =	dma.local @!p0 [hbm:s6], $0xF7A  }
0x23: {  	s9 =	sor.u32 $0xD0000000, s2;
	s6 =	simm.s32 $0x108;
	_ =	swait.ge @!p0 [sflag:s8], $0x0  }
0x24: {  	s3 =	sadd.s32 $0x88, s3;
	s6 =	simm.s32 @!p1 $0x1082;
	[sflag:s4] =	ssyncset.s32 $0xFFFFF086  }
0x25: {  	[simem:s6], [sflag:s4] =	dma.local [hbm:s3], $0xF7A  }
0x26: {  	[smem:$0x3F9F] =	sst s1;
	(tag) =	ssettag s2;
	_ =	strace s9  }
0x27: {  	s1 =	sld [smem:$0x3FAF]  }
0x28: {  	s2 =	sld [smem:$0x3FB0]  }
0x29: {  	s4 =	sld [smem:$0x3FB2]  }
0x2a: {  	p0 =	seq.s32 s5, $0x0;
	s5 =	sld [smem:$0x3FB3]  }
0x2b: {  	s6 =	sld [smem:$0x3FB4]  }
0x2c: {  	s7 =	sld [smem:$0x3FB5]  }
0x2d: {  	s3 =	simm.s32 $0x108;
	s8 =	sld [smem:$0x3FB6]  }
0x2e: {  	s3 =	simm.s32 @!p0 $0x1082;
	s9 =	sld [smem:$0x3FB7]  }
0x2f: {  	lr =	sadd.s32 s0, s3;
	s0 =	sld [smem:$0x3FAE]  }
0x30: {  	s3 =	sld [smem:$0x3FB1]  }
0x31: {  	[smem:$0x3FBA] =	sst s10  }
0x32: {  	s10 =	sld [smem:$0x3FB8];
	_ =	sdelay $0x3  }
0x33: {  	p0 =	seq.s32 s10, $0x1;
	s10 =	sld [smem:$0x3FBA];
	_ =	sdelay $0x3  }
0x34: {  	[smem:$0x3FBA] =	sst s10  }
0x35: {  	s10 =	sld [smem:$0x3FB9];
	_ =	sdelay $0x3  }
0x36: {  	p1 =	seq.s32 s10, $0x1;
	s10 =	sld [smem:$0x3FBA];
	_ =	sdelay $0x3  }
0x37: {  	[smem:$0x3FBA] =	sst s10  }
0x38: {  	s10 =	sld [smem:$0x3FBB]  }
0x39: {  	_ = 	snop;
	(pc) =	sbr.ind lr, $3  }
0x3a: {  	_ = 	snop  }
0x3b: {  	_ = 	snop  }
0x3c: {  	p2 =	seq.s32 s10, $0x1;
	s10 =	sld [smem:$0x3FBA]  }
0x3d: {  	_ =	shalt  }
0x3e: {  	_ =	shalt  }
0x3f: {  	_ =	shalt  }
0x40: {  	_ =	shalt  }
0x41: {  	_ =	shalt  }
0x42: {  	_ =	shalt  }
0x43: {  	_ =	shalt  }
0x44: {  	_ =	shalt  }
0x45: {  	_ =	shalt  }
0x46: {  	_ =	shalt  }
0x47: {  	_ =	shalt  }
0x48: {  	_ =	shalt  }
0x49: {  	_ =	shalt  }
0x4a: {  	_ =	shalt  }
0x4b: {  	_ =	shalt  }
0x4c: {  	_ =	shalt  }
0x4d: {  	_ =	shalt  }
0x4e: {  	_ =	shalt  }
0x4f: {  	_ =	shalt  }
0x50: {  	_ =	shalt  }
0x51: {  	_ =	shalt  }
0x52: {  	_ =	shalt  }
0x53: {  	_ =	shalt  }
0x54: {  	_ =	shalt  }
0x55: {  	_ =	shalt  }
0x56: {  	_ =	shalt  }
0x57: {  	_ =	shalt  }
0x58: {  	_ =	shalt  }
0x59: {  	_ =	shalt  }
0x5a: {  	_ =	shalt  }
0x5b: {  	_ =	shalt  }
0x5c: {  	_ =	shalt  }
0x5d: {  	_ =	shalt  }
0x5e: {  	_ =	shalt  }
0x5f: {  	_ =	shalt  }
0x60: {  	_ =	shalt  }
0x61: {  	_ =	shalt  }
0x62: {  	_ =	shalt  }
0x63: {  	_ =	shalt  }
0x64: {  	_ =	shalt  }
0x65: {  	_ =	shalt  }
0x66: {  	_ =	shalt  }
0x67: {  	_ =	shalt  }
0x68: {  	_ =	shalt  }
0x69: {  	_ =	shalt  }
0x6a: {  	_ =	shalt  }
0x6b: {  	_ =	shalt  }
0x6c: {  	_ =	shalt  }
0x6d: {  	_ =	shalt  }
0x6e: {  	_ =	shalt  }
0x6f: {  	_ =	shalt  }
0x70: {  	_ =	shalt  }
0x71: {  	_ =	shalt  }
0x72: {  	_ =	shalt  }
0x73: {  	_ =	shalt  }
0x74: {  	_ =	shalt  }
0x75: {  	_ =	shalt  }
0x76: {  	_ =	shalt  }
0x77: {  	_ =	shalt  }
0x78: {  	_ =	shalt  }
0x79: {  	_ =	shalt  }
0x7a: {  	_ =	shalt  }
0x7b: {  	_ =	shalt  }
0x7c: {  	_ =	shalt  }
0x7d: {  	_ =	shalt  }
0x7e: {  	_ =	shalt  }
0x7f: {  	_ =	shalt  }
0x80: {  	_ =	shalt  }
0x81: {  	_ =	shalt  }
0x82: {  	_ =	shalt  }
0x83: {  	_ =	shalt  }
0x84: {  	_ =	shalt  }
0x85: {  	_ =	shalt  }
0x86: {  	_ =	shalt  }
0x87: {  	_ =	shalt  }
.Lfunc_end0:
.L_simem_size_0:
called_computation_lowered:
.L_overlay_start_0:
0x88: {  	s2 =	sld [smem:$0x3FD9]  }
0x89: {  	s3 =	sld [smem:$0x3FFE];
	_ =	sdelay $0x1  }
0x8a: {  	s1 =	srdreg.scid  }
0x8b: {  	s0 =	sand.u32 $0x1, s1  }
0x8c: {  	s17 =	sshll.u32 s0, $0xA;
	s2 =	sadd.s32 s3, s2  }
0x8d: {  	s2 =	sadd.s32 s2, s17  }
0x8e: {  	[smem:$0x3FC6] =	sst s2  }
0x8f: {  	_ = 	snop  }
0x90: {  	s2 =	sld [smem:$0x3FC8]  }
0x91: {  	s18 =	sld [smem:$0x3FD0];
	(tm) =	ssettm $0x1  }
0x92: {  	s4 =	sld [smem:$0x3FFB];
	_ =	sdelay $0x3  }
0x93: {  	_ =	strace s4  }
0x94: {  	s4 =	sld [smem:$0x3FFC];
	_ =	sdelay $0x3  }
0x95: {  	_ =	strace s4  }
0x96: {  	s4 =	sld [smem:$0x3FFD];
	_ =	sdelay $0x3  }
0x97: {  	_ =	strace s4  }
0x98: {  	_ =	strace $0x8FFFFFFF  }
0x99: {  	s19 =	sld [smem:$0x3FDB];
	_ =	sdelay $0x1  }
0x9a: {  	s5 =	simm.s32 $_scs_section_size  }
0x9b: {  	s6 =	simm.s32 $_size__tile_overlayer_lowered;
	s7 =	simm.s32 $_tile_overlayer_lowered  }
0x9c: {  	s22 =	simm.s32 $0x1BFF;
	s21 =	sshll.u32 s7, $0x1;
	s4 =	sadd.s32 s5, s19  }
0x9d: {  	s8 =	simm.s32 $0x0;
	s20 =	sshll.u32 s6, $0x1;
	s6 =	sadd.s32 s21, s4  }
0x9e: {  	[timem:s8], [sflag:s22] =	dma.local [hbm:s6], s20  }
0x9f: {  	_ =	swait.ge [sflag:s22], s20  }
0xa0: {  	s5 =	ssub.s32 $0x0, s20;
	[sflag:s22] =	ssyncset.done $0x0  }
0xa1: {  	[sflag:s22] =	ssyncadd.s32 s5;
	_ =	sdelay $0x1  }
0xa2: {  	s23 =	simm.s32 $0x1B8B  }
0xa3: {  	_ =	swait.ge [sflag:s23], $0x1  }
0xa4: {  	[sflag:s23] =	ssyncset.done $0x0  }
0xa5: {  	s25 =	simm.s32 $0x1B8E;
	s24 =	sld [smem:$0x3FFE];
	[sflag:s23] =	ssyncadd.s32 $0xFFFFFFFF  }
0xa6: {  	s26 =	simm.s32 $execute0_lowered;
	[smem:$0x3FD2] =	sst s25  }
0xa7: {  	s6 =	sshll.u32 s26, $0x1;
	_ =	strace $0x80000046;
	[dreg:$0x1] =	wrdreg $0xFFFFFFFF  }
0xa8: {  	s28 =	simm.s32 $_size_execute0_lowered;
	s4 =	sadd.s32 s4, s6;
	[dreg:$0x0] =	wrdreg $0x0  }
0xa9: {  	s6 =	sshll.u32 s28, $0x1;
	[dreg:$0x2] =	wrdreg s4  }
0xaa: {  	[dreg:$0x3] =	wrdreg s6  }
0xab: {  	[dreg:$0x4] =	wrdreg $0xC0  }
0xac: {  	_ =	task [dreg:s8], $0x5FFFF  }
0xad: {  	[dreg:$0x1] =	wrdreg $0xFFFFFFFF  }
0xae: {  	[dreg:$0x0] =	wrdreg $0x60  }
0xaf: {  	[dreg:$0x2] =	wrdreg s24  }
0xb0: {  	[dreg:$0x3] =	wrdreg s2  }
0xb1: {  	[dreg:$0x4] =	wrdreg s18  }
0xb2: {  	[dreg:$0x5] =	wrdreg $0x9  }
0xb3: {  	_ =	task.clear_ibuf [dreg:s8], $0x6FFFF;
	_ =	strace $0x90000046  }
0xb4: {  	s29 =	simm.s32 $0x9;
	_ =	strace $0x80000048  }
0xb5: {  	_ =	swait.ge [sflag:s29], $0x1  }
0xb6: {  	[sflag:s29] =	ssyncadd.s32 $0xFFFFFFFF  }
0xb7: {  	_ =	strace $0x90000048  }
0xb8: {  	_ =	sfence  }
0xb9: {  	s30 =	sld [smem:$0x0];
	_ =	sdelay $0x2  }
0xba: {  	s31 =	sshll.u32 s1, $0xD;
	s1 =	sshrl.u32 s1, $0x2  }
0xbb: {  	s3 =	sand.u32 $0x4000, s31;
	s1 =	sadd.s32 s1, s30  }
0xbc: {  	s0 =	sor.u32 s3, s0;
	s1 =	sshll.u32 s1, $0x11  }
0xbd: {  	s0 =	sor.u32 s1, s0  }
0xbe: {  	s0 =	sadd.s32 $0x8F2B, s0  }
0xbf: {  	[sflag:s0] =	ssyncadd.remote.s32 $0x1  }
0xc0: {  	_ =	sfence.sel $0xFFFF  }
0xc1: {  	[dreg:$0x0] =	wrdreg $0xFFFFFFFF;
	(pc) =	sbr.abs _section_cstart, $3  }
0xc2: {  	[dreg:$0x1] =	wrdreg $0xFFFFFFFF  }
0xc3: {  	_ =	task.clear_ibuf [dreg:s8], $0x2FFFF;
	_ =	strace $0x9FFFFFFF  }
0xc4: {  	(tm) =	ssettm $0x7FFFFFFF  }
0xc5: {  	_ =	shalt  }
tec
execute0_lowered:
.L_overlay_start_1:
0x0: {  	(tag) =	ssettag $0x1  }
0x1: {  	v0 =	vlaneseq.u32  }
0x2: {  	s0 =	rddreg [dreg:$0x0];
	s3 =	srdreg.scid;
	v0 =	vmul.u32 $0x80, v0  }
0x3: {  	s2 =	rddreg [dreg:$0x1];
	s4 =	sand.u32 $0x1, s3;
	s3 =	simm.s32 $0x0  }
0x4: {  	[smem:$0x7FF] =	sst s3;
	v8 =	vor.u32 $0x1, v0  }
0x5: {  	s1 =	rddreg [dreg:$0x2];
	_ =	strace $0x80000047;
	[tilespmem:$0x1FEF0] =	vst v8;
	v8 =	vor.u32 $0x801, v0  }
0x6: {  	[tilespmem:$0x1FF00] =	vst v8;
	v8 =	vor.u32 $0x1001, v0  }
0x7: {  	v1 =	vor.u32 $0x800, v0;
	[tilespmem:$0x1FF10] =	vst v8;
	v8 =	vor.u32 $0x1801, v0  }
0x8: {  	v2 =	vor.u32 $0x1000, v0;
	v3 =	vor.u32 $0x1800, v0;
	[tilespmem:$0x1FF20] =	vst v8;
	v8 =	vor.u32 $0x2001, v0  }
0x9: {  	v4 =	vor.u32 $0x2000, v0;
	v5 =	vor.u32 $0x2800, v0;
	[tilespmem:$0x1FF30] =	vst v8;
	v8 =	vor.u32 $0x2801, v0  }
0xa: {  	s5 =	stileid.u32;
	v6 =	vor.u32 $0x3000, v0;
	v7 =	vor.u32 $0x3800, v0;
	[tilespmem:$0x1FF40] =	vst v8;
	v8 =	vor.u32 $0x3001, v0  }
0xb: {  	s7 =	simm.s32 $0x7;
	s8 =	simm.s32 $0x80;
	s10 =	simm.s32 $0x5900;
	v25 =	vor.u32 $0x803, v0;
	v26 =	vor.u32 $0x1003, v0;
	[tilespmem:$0x1FF50] =	vst v8;
	v8 =	vor.u32 $0x3801, v0  }
0xc: {  	s12 =	simm.s32 $0x9900;
	s14 =	simm.s32 $0xD900;
	s16 =	simm.s32 $0x11900;
	v27 =	vor.u32 $0x1803, v0;
	v28 =	vor.u32 $0x2003, v0;
	[tilespmem:$0x1FF60] =	vst v8;
	v8 =	vor.u32 $0x2, v0  }
0xd: {  	s18 =	simm.s32 $0x15900;
	s20 =	simm.s32 $0x19900;
	s21 =	simm.s32 $0x1;
	v29 =	vor.u32 $0x2803, v0;
	v30 =	vor.u32 $0x3003, v0;
	[tilespmem:$0x1FF70] =	vst v8;
	v8 =	vor.u32 $0x802, v0  }
0xe: {  	s23 =	simm.s32 $0x2;
	s25 =	simm.s32 $0x3;
	s22 =	simm.s32 $0x5500;
	v31 =	vor.u32 $0x3803, v0;
	v32 =	vor.u32 $0x4, v0;
	[tilespmem:$0x1FF80] =	vst v8;
	v8 =	vor.u32 $0x1002, v0  }
0xf: {  	s28 =	simm.s32 $0x4;
	s24 =	simm.s32 $0x5580;
	s29 =	simm.s32 $0x5680;
	v33 =	vor.u32 $0x804, v0;
	v34 =	vor.u32 $0x1004, v0;
	[tilespmem:$0x1FF90] =	vst v8;
	v8 =	vor.u32 $0x1802, v0  }
0x10: {  	s30 =	simm.s32 $0x5;
	s31 =	simm.s32 $0x5700;
	s9 =	simm.s32 $0x5800;
	v35 =	vor.u32 $0x1804, v0;
	v36 =	vor.u32 $0x2004, v0;
	[tilespmem:$0x1FFA0] =	vst v8;
	v8 =	vor.u32 $0x2002, v0  }
0x11: {  	s5 =	sshll.u32 s5, $0xC;
	s6 =	sshll.u32 s4, $0xB;
	s4 =	ssub.s32 $0x2, s4;
	v37 =	vor.u32 $0x2804, v0;
	v38 =	vor.u32 $0x3004, v0;
	[tilespmem:$0x1FFB0] =	vst v8;
	v8 =	vor.u32 $0x2802, v0  }
0x12: {  	s11 =	simm.s32 $0x5880;
	s5 =	sor.u32 s6, s5;
	s26 =	sshrl.u32 s4, $0x1;
	v39 =	vor.u32 $0x3804, v0;
	v40 =	vor.u32 $0x5, v0;
	[tilespmem:$0x1FFC0] =	vst v8;
	v8 =	vor.u32 $0x3002, v0  }
0x13: {  	s13 =	simm.s32 $0x0;
	v41 =	vor.u32 $0x805, v0;
	v42 =	vor.u32 $0x1005, v0;
	s0 =	sadd.s32 s5, s0;
	s6 =	ssub.s32 s4, s26;
	[tilespmem:$0x1FFD0] =	vst v8;
	v8 =	vor.u32 $0x3802, v0  }
0x14: {  	v43 =	vor.u32 $0x1805, v0;
	v44 =	vor.u32 $0x2005, v0;
	s5 =	sadd.s32 s1, s5;
	s26 =	simm.s32 $0x5600;
	s1 =	simm.s32 $0x5780;
	[tilespmem:$0x1FFE0] =	vst v8;
	v8 =	vor.u32 $0x3, v0  }
0x15: {  	v45 =	vor.u32 $0x2805, v0;
	v46 =	vor.u32 $0x3005, v0;
	v47 =	vor.u32 $0x3805, v0;
	s4 =	sadd.s32 $0x400, s0;
	s6 =	smax.u32 s6, $0x1;
	s0 =	simm.s32 $0x6;
	[tilespmem:$0x1FFF0] =	vst v8  }
.LBB2_1:
0x16: {  	[tilespmem:s3], [sflag:$0x7] =	stream.linear.gather [hbm4b:s4+s3], $0x4000, $0x38;
	[tilespmem:$0x1D900] =	vst v63  }
0x17: {  	_ =	swait.ge [sflag:s7], $0x4000  }
0x18: {  	[sflag:s7] =	ssyncset.done $0x0  }
0x19: {  	[sflag:s7] =	ssyncadd.s32 $0xFFFFC000  }
0x1a: {  	v8 =	vld.idx.msk [tilespmem:v0+s3+$0x0], $0xffff;
	_ =	sdelay $0x4  }
0x1b: {  	[tilespmem:$0x4000] =	vst v8  }
0x1c: {  	v8 =	vld.idx.msk [tilespmem:v1+s3+$0x0], $0xffff;
	_ =	sdelay $0x4  }
0x1d: {  	[tilespmem:$0x4010] =	vst v8  }
0x1e: {  	v8 =	vld.idx.msk [tilespmem:v2+s3+$0x0], $0xffff;
	_ =	sdelay $0x4  }
0x1f: {  	[tilespmem:$0x4020] =	vst v8  }
0x20: {  	v8 =	vld.idx.msk [tilespmem:v3+s3+$0x0], $0xffff;
	_ =	sdelay $0x4  }
0x21: {  	[tilespmem:$0x4030] =	vst v8  }
0x22: {  	v8 =	vld.idx.msk [tilespmem:v4+s3+$0x0], $0xffff;
	_ =	sdelay $0x4  }
0x23: {  	[tilespmem:$0x4040] =	vst v8  }
0x24: {  	v8 =	vld.idx.msk [tilespmem:v5+s3+$0x0], $0xffff;
	_ =	sdelay $0x4  }
0x25: {  	[tilespmem:$0x4050] =	vst v8  }
0x26: {  	v8 =	vld.idx.msk [tilespmem:v6+s3+$0x0], $0xffff;
	_ =	sdelay $0x4  }
0x27: {  	[tilespmem:$0x4060] =	vst v8  }
0x28: {  	v8 =	vld.idx.msk [tilespmem:v7+s3+$0x0], $0xffff;
	_ =	sdelay $0x4  }
0x29: {  	[tilespmem:$0x4070] =	vst v8;
	v8 =	vld [tilespmem:$0x1FEF0];
	_ =	sdelay $0x5  }
0x2a: {  	s15 =	simm.s32 $0x4000  }
0x2b: {  	[tilespmem:s10], [sflag:$0x1] =	stream.indirect.gather [hbm4b:s2+s8], $0x80, s15, s8, $0xb8;
	[tilespmem:$0x1D900] =	vst v63  }
0x2c: {  	v8 =	vld.idx.msk [tilespmem:v8+s3+$0x0], $0xffff;
	_ =	sdelay $0x4  }
0x2d: {  	[tilespmem:$0x4080] =	vst v8;
	v8 =	vld [tilespmem:$0x1FF00];
	_ =	sdelay $0x7  }
0x2e: {  	v8 =	vld.idx.msk [tilespmem:v8+s3+$0x0], $0xffff;
	_ =	sdelay $0x4  }
0x2f: {  	[tilespmem:$0x4090] =	vst v8;
	v8 =	vld [tilespmem:$0x1FF10];
	_ =	sdelay $0x7  }
0x30: {  	v8 =	vld.idx.msk [tilespmem:v8+s3+$0x0], $0xffff;
	_ =	sdelay $0x4  }
0x31: {  	[tilespmem:$0x40A0] =	vst v8;
	v8 =	vld [tilespmem:$0x1FF20];
	_ =	sdelay $0x7  }
0x32: {  	v8 =	vld.idx.msk [tilespmem:v8+s3+$0x0], $0xffff;
	_ =	sdelay $0x4  }
0x33: {  	[tilespmem:$0x40B0] =	vst v8;
	v8 =	vld [tilespmem:$0x1FF30];
	_ =	sdelay $0x7  }
0x34: {  	v8 =	vld.idx.msk [tilespmem:v8+s3+$0x0], $0xffff;
	_ =	sdelay $0x4  }
0x35: {  	[tilespmem:$0x40C0] =	vst v8;
	v8 =	vld [tilespmem:$0x1FF40];
	_ =	sdelay $0x7  }
0x36: {  	v8 =	vld.idx.msk [tilespmem:v8+s3+$0x0], $0xffff;
	_ =	sdelay $0x4  }
0x37: {  	[tilespmem:$0x40D0] =	vst v8;
	v8 =	vld [tilespmem:$0x1FF50];
	_ =	sdelay $0x7  }
0x38: {  	v8 =	vld.idx.msk [tilespmem:v8+s3+$0x0], $0xffff;
	_ =	sdelay $0x4  }
0x39: {  	[tilespmem:$0x40E0] =	vst v8;
	v8 =	vld [tilespmem:$0x1FF60];
	_ =	sdelay $0x7  }
0x3a: {  	v8 =	vld.idx.msk [tilespmem:v8+s3+$0x0], $0xffff;
	_ =	sdelay $0x4  }
0x3b: {  	[tilespmem:$0x40F0] =	vst v8;
	v8 =	vld [tilespmem:$0x1FF70];
	_ =	sdelay $0x5  }
0x3c: {  	s19 =	simm.s32 $0x4080  }
0x3d: {  	[tilespmem:s12], [sflag:$0x2] =	stream.indirect.gather [hbm4b:s2+s8], $0x80, s19, s8, $0xb8;
	[tilespmem:$0x1D900] =	vst v63  }
0x3e: {  	v8 =	vld.idx.msk [tilespmem:v8+s3+$0x0], $0xffff;
	_ =	sdelay $0x4  }
0x3f: {  	[tilespmem:$0x4100] =	vst v8;
	v8 =	vld [tilespmem:$0x1FF80];
	_ =	sdelay $0x7  }
0x40: {  	v8 =	vld.idx.msk [tilespmem:v8+s3+$0x0], $0xffff;
	_ =	sdelay $0x4  }
0x41: {  	[tilespmem:$0x4110] =	vst v8;
	v8 =	vld [tilespmem:$0x1FF90];
	_ =	sdelay $0x7  }
0x42: {  	v8 =	vld.idx.msk [tilespmem:v8+s3+$0x0], $0xffff;
	_ =	sdelay $0x4  }
0x43: {  	[tilespmem:$0x4120] =	vst v8;
	v8 =	vld [tilespmem:$0x1FFA0];
	_ =	sdelay $0x7  }
0x44: {  	v8 =	vld.idx.msk [tilespmem:v8+s3+$0x0], $0xffff;
	_ =	sdelay $0x4  }
0x45: {  	[tilespmem:$0x4130] =	vst v8;
	v8 =	vld [tilespmem:$0x1FFB0];
	_ =	sdelay $0x7  }
0x46: {  	v8 =	vld.idx.msk [tilespmem:v8+s3+$0x0], $0xffff;
	_ =	sdelay $0x4  }
0x47: {  	[tilespmem:$0x4140] =	vst v8;
	v8 =	vld [tilespmem:$0x1FFC0];
	_ =	sdelay $0x7  }
0x48: {  	v8 =	vld.idx.msk [tilespmem:v8+s3+$0x0], $0xffff;
	_ =	sdelay $0x4  }
0x49: {  	[tilespmem:$0x4150] =	vst v8;
	v8 =	vld [tilespmem:$0x1FFD0];
	_ =	sdelay $0x7  }
0x4a: {  	v8 =	vld.idx.msk [tilespmem:v8+s3+$0x0], $0xffff;
	_ =	sdelay $0x4  }
0x4b: {  	[tilespmem:$0x4160] =	vst v8;
	v8 =	vld [tilespmem:$0x1FFE0];
	_ =	sdelay $0x7  }
0x4c: {  	v8 =	vld.idx.msk [tilespmem:v8+s3+$0x0], $0xffff;
	_ =	sdelay $0x4  }
0x4d: {  	[tilespmem:$0x4170] =	vst v8;
	v8 =	vld [tilespmem:$0x1FFF0];
	_ =	sdelay $0x5  }
0x4e: {  	s17 =	simm.s32 $0x4100  }
0x4f: {  	[tilespmem:s14], [sflag:$0x3] =	stream.indirect.gather [hbm4b:s2+s8], $0x80, s17, s8, $0xb8;
	[tilespmem:$0x1D900] =	vst v63  }
0x50: {  	v8 =	vld.idx.msk [tilespmem:v8+s3+$0x0], $0xffff;
	_ =	sdelay $0x4  }
0x51: {  	[tilespmem:$0x4180] =	vst v8  }
0x52: {  	v8 =	vld.idx.msk [tilespmem:v25+s3+$0x0], $0xffff;
	_ =	sdelay $0x4  }
0x53: {  	[tilespmem:$0x4190] =	vst v8  }
0x54: {  	v8 =	vld.idx.msk [tilespmem:v26+s3+$0x0], $0xffff;
	_ =	sdelay $0x4  }
0x55: {  	[tilespmem:$0x41A0] =	vst v8  }
0x56: {  	v8 =	vld.idx.msk [tilespmem:v27+s3+$0x0], $0xffff;
	_ =	sdelay $0x4  }
0x57: {  	[tilespmem:$0x41B0] =	vst v8  }
0x58: {  	v8 =	vld.idx.msk [tilespmem:v28+s3+$0x0], $0xffff;
	_ =	sdelay $0x4  }
0x59: {  	[tilespmem:$0x41C0] =	vst v8  }
0x5a: {  	v8 =	vld.idx.msk [tilespmem:v29+s3+$0x0], $0xffff;
	_ =	sdelay $0x4  }
0x5b: {  	[tilespmem:$0x41D0] =	vst v8  }
0x5c: {  	v8 =	vld.idx.msk [tilespmem:v30+s3+$0x0], $0xffff;
	_ =	sdelay $0x4  }
0x5d: {  	[tilespmem:$0x41E0] =	vst v8  }
0x5e: {  	v8 =	vld.idx.msk [tilespmem:v31+s3+$0x0], $0xffff;
	_ =	sdelay $0x4  }
0x5f: {  	s19 =	simm.s32 $0x4180;
	[tilespmem:$0x41F0] =	vst v8  }
0x60: {  	[tilespmem:s16], [sflag:$0x4] =	stream.indirect.gather [hbm4b:s2+s8], $0x80, s19, s8, $0xb8;
	[tilespmem:$0x1D900] =	vst v63  }
0x61: {  	v8 =	vld.idx.msk [tilespmem:v32+s3+$0x0], $0xffff;
	_ =	sdelay $0x4  }
0x62: {  	[tilespmem:$0x4200] =	vst v8  }
0x63: {  	v8 =	vld.idx.msk [tilespmem:v33+s3+$0x0], $0xffff;
	_ =	sdelay $0x4  }
0x64: {  	[tilespmem:$0x4210] =	vst v8  }
0x65: {  	v8 =	vld.idx.msk [tilespmem:v34+s3+$0x0], $0xffff;
	_ =	sdelay $0x4  }
0x66: {  	[tilespmem:$0x4220] =	vst v8  }
0x67: {  	v8 =	vld.idx.msk [tilespmem:v35+s3+$0x0], $0xffff;
	_ =	sdelay $0x4  }
0x68: {  	[tilespmem:$0x4230] =	vst v8  }
0x69: {  	v8 =	vld.idx.msk [tilespmem:v36+s3+$0x0], $0xffff;
	_ =	sdelay $0x4  }
0x6a: {  	[tilespmem:$0x4240] =	vst v8  }
0x6b: {  	v8 =	vld.idx.msk [tilespmem:v37+s3+$0x0], $0xffff;
	_ =	sdelay $0x4  }
0x6c: {  	[tilespmem:$0x4250] =	vst v8  }
0x6d: {  	v8 =	vld.idx.msk [tilespmem:v38+s3+$0x0], $0xffff;
	_ =	sdelay $0x4  }
0x6e: {  	[tilespmem:$0x4260] =	vst v8  }
0x6f: {  	v8 =	vld.idx.msk [tilespmem:v39+s3+$0x0], $0xffff;
	_ =	sdelay $0x4  }
0x70: {  	s17 =	simm.s32 $0x4200;
	[tilespmem:$0x4270] =	vst v8  }
0x71: {  	[tilespmem:s18], [sflag:$0x5] =	stream.indirect.gather [hbm4b:s2+s8], $0x80, s17, s8, $0xb8;
	[tilespmem:$0x1D900] =	vst v63  }
0x72: {  	v8 =	vld.idx.msk [tilespmem:v40+s3+$0x0], $0xffff;
	_ =	sdelay $0x4  }
0x73: {  	[tilespmem:$0x4280] =	vst v8  }
0x74: {  	v8 =	vld.idx.msk [tilespmem:v41+s3+$0x0], $0xffff;
	_ =	sdelay $0x4  }
0x75: {  	[tilespmem:$0x4290] =	vst v8  }
0x76: {  	v8 =	vld.idx.msk [tilespmem:v42+s3+$0x0], $0xffff;
	_ =	sdelay $0x4  }
0x77: {  	[tilespmem:$0x42A0] =	vst v8  }
0x78: {  	v8 =	vld.idx.msk [tilespmem:v43+s3+$0x0], $0xffff;
	_ =	sdelay $0x4  }
0x79: {  	[tilespmem:$0x42B0] =	vst v8  }
0x7a: {  	v8 =	vld.idx.msk [tilespmem:v44+s3+$0x0], $0xffff;
	_ =	sdelay $0x4  }
0x7b: {  	[tilespmem:$0x42C0] =	vst v8  }
0x7c: {  	v8 =	vld.idx.msk [tilespmem:v45+s3+$0x0], $0xffff;
	_ =	sdelay $0x4  }
0x7d: {  	[tilespmem:$0x42D0] =	vst v8  }
0x7e: {  	v8 =	vld.idx.msk [tilespmem:v46+s3+$0x0], $0xffff;
	_ =	sdelay $0x3  }
0x7f: {  	v9 =	vmov s0  }
0x80: {  	[tilespmem:$0x42E0] =	vst v8;
	v8 =	vand.u32 $0x7F, v9  }
0x81: {  	v9 =	vld.idx.msk [tilespmem:v47+s3+$0x0], $0xffff;
	v8 =	vbroadcast v8, $0x0;
	_ =	sdelay $0x1  }
0x82: {  	v10 =	vor.u32 v0, v8;
	_ =	sdelay $0x2  }
0x83: {  	s19 =	simm.s32 $0x4280;
	[tilespmem:$0x42F0] =	vst v9  }
0x84: {  	[tilespmem:s20], [sflag:$0x6] =	stream.indirect.gather [hbm4b:s2+s8], $0x80, s19, s8, $0xb8;
	[tilespmem:$0x1D900] =	vst v63  }
0x85: {  	v9 =	vld.idx.msk [tilespmem:v10+s3+$0x0], $0xffff  }
0x86: {  	v10 =	vor.u32 v1, v8;
	_ =	sdelay $0x2  }
0x87: {  	s15 =	simm.s32 $0x4370  }
0x88: {  	[tilespmem:s15+$0xFFFFFF90] =	vst v9  }
0x89: {  	v9 =	vld.idx.msk [tilespmem:v10+s3+$0x0], $0xffff  }
0x8a: {  	v10 =	vor.u32 v2, v8;
	_ =	sdelay $0x3  }
0x8b: {  	[tilespmem:s15+$0xFFFFFFA0] =	vst v9  }
0x8c: {  	v9 =	vld.idx.msk [tilespmem:v10+s3+$0x0], $0xffff  }
0x8d: {  	v10 =	vor.u32 v3, v8;
	_ =	sdelay $0x3  }
0x8e: {  	[tilespmem:s15+$0xFFFFFFB0] =	vst v9  }
0x8f: {  	v9 =	vld.idx.msk [tilespmem:v10+s3+$0x0], $0xffff  }
0x90: {  	v10 =	vor.u32 v4, v8;
	_ =	sdelay $0x3  }
0x91: {  	[tilespmem:s15+$0xFFFFFFC0] =	vst v9  }
0x92: {  	v9 =	vld.idx.msk [tilespmem:v10+s3+$0x0], $0xffff  }
0x93: {  	v10 =	vor.u32 v5, v8;
	_ =	sdelay $0x3  }
0x94: {  	[tilespmem:s15+$0xFFFFFFD0] =	vst v9  }
0x95: {  	v9 =	vld.idx.msk [tilespmem:v10+s3+$0x0], $0xffff  }
0x96: {  	v10 =	vor.u32 v6, v8;
	_ =	sdelay $0x3  }
0x97: {  	[tilespmem:s15+$0xFFFFFFE0] =	vst v9  }
0x98: {  	v9 =	vld.idx.msk [tilespmem:v10+s3+$0x0], $0xffff  }
0x99: {  	v8 =	vor.u32 v7, v8;
	_ =	sdelay $0x1  }
0x9a: {  	s17 =	simm.s32 $0x7  }
0x9b: {  	v10 =	vmov s17;
	s17 =	simm.s32 $0x8  }
.LBB2_2:
0x9c: {  	p0 =	sne.s32 s17, $0x31;
	v10 =	vand.u32 $0x7F, v10;
	[tilespmem:s15+$0xFFFFFFF0] =	vst v9  }
0x9d: {  	v10 =	vbroadcast v10, $0x0;
	v8 =	vld.idx.msk [tilespmem:v8+s3+$0x0], $0xffff;
	_ =	sdelay $0x1  }
0x9e: {  	v9 =	vor.u32 v0, v10;
	_ =	sdelay $0x3  }
0x9f: {  	[tilespmem:s15+$0x0] =	vst v8  }
0xa0: {  	v8 =	vld.idx.msk [tilespmem:v9+s3+$0x0], $0xffff;
	_ =	sdelay $0x1  }
0xa1: {  	v9 =	vor.u32 v1, v10;
	_ =	sdelay $0x2  }
0xa2: {  	s15 =	sadd.s32 $0x80, s15  }
0xa3: {  	[tilespmem:s15+$0xFFFFFF90] =	vst v8  }
0xa4: {  	v8 =	vld.idx.msk [tilespmem:v9+s3+$0x0], $0xffff;
	_ =	sdelay $0x1  }
0xa5: {  	v9 =	vor.u32 v2, v10;
	_ =	sdelay $0x3  }
0xa6: {  	[tilespmem:s15+$0xFFFFFFA0] =	vst v8  }
0xa7: {  	v8 =	vld.idx.msk [tilespmem:v9+s3+$0x0], $0xffff;
	_ =	sdelay $0x1  }
0xa8: {  	v9 =	vor.u32 v3, v10;
	_ =	sdelay $0x3  }
0xa9: {  	[tilespmem:s15+$0xFFFFFFB0] =	vst v8  }
0xaa: {  	v8 =	vld.idx.msk [tilespmem:v9+s3+$0x0], $0xffff;
	_ =	sdelay $0x1  }
0xab: {  	v9 =	vor.u32 v4, v10;
	_ =	sdelay $0x3  }
0xac: {  	[tilespmem:s15+$0xFFFFFFC0] =	vst v8  }
0xad: {  	v8 =	vld.idx.msk [tilespmem:v9+s3+$0x0], $0xffff;
	_ =	sdelay $0x1  }
0xae: {  	v9 =	vor.u32 v5, v10;
	_ =	sdelay $0x3  }
0xaf: {  	[tilespmem:s15+$0xFFFFFFD0] =	vst v8  }
0xb0: {  	v8 =	vld.idx.msk [tilespmem:v9+s3+$0x0], $0xffff;
	_ =	sdelay $0x1  }
0xb1: {  	v9 =	vor.u32 v6, v10;
	_ =	sdelay $0x3  }
0xb2: {  	[tilespmem:s15+$0xFFFFFFE0] =	vst v8  }
0xb3: {  	v9 =	vld.idx.msk [tilespmem:v9+s3+$0x0], $0xffff  }
.Ltmp0:
0xb4: {  	(pc) =	sbr.rel @p0 .LBB2_2-.Ltmp0, $2  }
0xb5: {  	v8 =	vor.u32 v7, v10;
	_ =	sdelay $0x2  }
0xb6: {  	v10 =	vmov s17;
	s17 =	sadd.s32 $0x1, s17  }
0xb7: {  	_ =	sdelay $0x1  }
0xb8: {  	v10 =	vand.u32 $0x7F, v10  }
0xb9: {  	[tilespmem:s15+$0xFFFFFFF0] =	vst v9;
	v9 =	vbroadcast v10, $0x0  }
0xba: {  	v8 =	vld.idx.msk [tilespmem:v8+s3+$0x0], $0xffff  }
0xbb: {  	v10 =	vor.u32 v0, v9;
	_ =	sdelay $0x3  }
0xbc: {  	[tilespmem:s15+$0x0] =	vst v8  }
0xbd: {  	v8 =	vld.idx.msk [tilespmem:v10+s3+$0x0], $0xffff  }
0xbe: {  	v10 =	vor.u32 v1, v9;
	_ =	sdelay $0x2  }
0xbf: {  	s19 =	sadd.s32 $0x80, s15  }
0xc0: {  	[tilespmem:s19+$0xFFFFFF90] =	vst v8  }
0xc1: {  	v8 =	vld.idx.msk [tilespmem:v10+s3+$0x0], $0xffff  }
0xc2: {  	v10 =	vor.u32 v2, v9;
	_ =	sdelay $0x3  }
0xc3: {  	[tilespmem:s19+$0xFFFFFFA0] =	vst v8  }
0xc4: {  	v8 =	vld.idx.msk [tilespmem:v10+s3+$0x0], $0xffff  }
0xc5: {  	v10 =	vor.u32 v3, v9;
	_ =	sdelay $0x3  }
0xc6: {  	[tilespmem:s19+$0xFFFFFFB0] =	vst v8  }
0xc7: {  	v8 =	vld.idx.msk [tilespmem:v10+s3+$0x0], $0xffff  }
0xc8: {  	v10 =	vor.u32 v4, v9;
	_ =	sdelay $0x3  }
0xc9: {  	[tilespmem:s19+$0xFFFFFFC0] =	vst v8  }
0xca: {  	v8 =	vld.idx.msk [tilespmem:v10+s3+$0x0], $0xffff  }
0xcb: {  	v10 =	vor.u32 v5, v9;
	_ =	sdelay $0x3  }
0xcc: {  	[tilespmem:s19+$0xFFFFFFD0] =	vst v8  }
0xcd: {  	v8 =	vld.idx.msk [tilespmem:v10+s3+$0x0], $0xffff  }
0xce: {  	v10 =	vor.u32 v6, v9;
	_ =	sdelay $0x3  }
0xcf: {  	[tilespmem:s19+$0xFFFFFFE0] =	vst v8  }
0xd0: {  	v8 =	vld.idx.msk [tilespmem:v10+s3+$0x0], $0xffff  }
0xd1: {  	v9 =	vor.u32 v7, v9;
	_ =	sdelay $0x3  }
0xd2: {  	[tilespmem:s19+$0xFFFFFFF0] =	vst v8  }
0xd3: {  	v8 =	vld.idx.msk [tilespmem:v9+s3+$0x0], $0xffff;
	_ =	sdelay $0x4  }
0xd4: {  	[tilespmem:s19+$0x0] =	vst v8  }
0xd5: {  	_ =	swait.ge [sflag:s21], $0x4000  }
0xd6: {  	[sflag:s21] =	ssyncset.done $0x0  }
0xd7: {  	s17 =	simm.s32 $0x4300;
	[sflag:s21] =	ssyncadd.s32 $0xFFFFC000  }
0xd8: {  	[tilespmem:s10], [sflag:$0x1] =	stream.indirect.gather.add.f32 [hbm:s2], $0x80, s17, s8, $0xb8;
	[tilespmem:$0x1D900] =	vst v63  }
0xd9: {  	_ =	swait.ge [sflag:s23], $0x4000  }
0xda: {  	[sflag:s23] =	ssyncset.done $0x0  }
0xdb: {  	s19 =	simm.s32 $0x4380;
	[sflag:s23] =	ssyncadd.s32 $0xFFFFC000  }
0xdc: {  	[tilespmem:s12], [sflag:$0x2] =	stream.indirect.gather.add.f32 [hbm:s2], $0x80, s19, s8, $0xb8;
	[tilespmem:$0x1D900] =	vst v63  }
0xdd: {  	_ =	swait.ge [sflag:s25], $0x4000  }
0xde: {  	[sflag:s25] =	ssyncset.done $0x0  }
0xdf: {  	s17 =	simm.s32 $0x4400;
	[sflag:s25] =	ssyncadd.s32 $0xFFFFC000  }
0xe0: {  	[tilespmem:s14], [sflag:$0x3] =	stream.indirect.gather.add.f32 [hbm:s2], $0x80, s17, s8, $0xb8;
	[tilespmem:$0x1D900] =	vst v63  }
0xe1: {  	_ =	swait.ge [sflag:s28], $0x4000  }
0xe2: {  	[sflag:s28] =	ssyncset.done $0x0  }
0xe3: {  	s19 =	simm.s32 $0x4480;
	[sflag:s28] =	ssyncadd.s32 $0xFFFFC000  }
0xe4: {  	[tilespmem:s16], [sflag:$0x4] =	stream.indirect.gather.add.f32 [hbm:s2], $0x80, s19, s8, $0xb8;
	[tilespmem:$0x1D900] =	vst v63  }
0xe5: {  	_ =	swait.ge [sflag:s30], $0x4000  }
0xe6: {  	[sflag:s30] =	ssyncset.done $0x0  }
0xe7: {  	s17 =	simm.s32 $0x4500;
	[sflag:s30] =	ssyncadd.s32 $0xFFFFC000  }
0xe8: {  	[tilespmem:s18], [sflag:$0x5] =	stream.indirect.gather.add.f32 [hbm:s2], $0x80, s17, s8, $0xb8;
	[tilespmem:$0x1D900] =	vst v63  }
0xe9: {  	_ =	swait.ge [sflag:s0], $0x4000  }
0xea: {  	[sflag:s0] =	ssyncset.done $0x0  }
0xeb: {  	s19 =	simm.s32 $0x4580;
	[sflag:s0] =	ssyncadd.s32 $0xFFFFC000  }
0xec: {  	[tilespmem:s20], [sflag:$0x6] =	stream.indirect.gather.add.f32 [hbm:s2], $0x80, s19, s8, $0xb8;
	[tilespmem:$0x1D900] =	vst v63  }
0xed: {  	_ =	swait.ge [sflag:s21], $0x4000  }
0xee: {  	[sflag:s21] =	ssyncset.done $0x0  }
0xef: {  	s17 =	simm.s32 $0x4600;
	[sflag:s21] =	ssyncadd.s32 $0xFFFFC000  }
0xf0: {  	[tilespmem:s10], [sflag:$0x1] =	stream.indirect.gather.add.f32 [hbm:s2], $0x80, s17, s8, $0xb8;
	[tilespmem:$0x1D900] =	vst v63  }
0xf1: {  	_ =	swait.ge [sflag:s23], $0x4000  }
0xf2: {  	[sflag:s23] =	ssyncset.done $0x0  }
0xf3: {  	s19 =	simm.s32 $0x4680;
	[sflag:s23] =	ssyncadd.s32 $0xFFFFC000  }
0xf4: {  	[tilespmem:s12], [sflag:$0x2] =	stream.indirect.gather.add.f32 [hbm:s2], $0x80, s19, s8, $0xb8;
	[tilespmem:$0x1D900] =	vst v63  }
0xf5: {  	_ =	swait.ge [sflag:s25], $0x4000  }
0xf6: {  	[sflag:s25] =	ssyncset.done $0x0  }
0xf7: {  	s17 =	simm.s32 $0x4700;
	[sflag:s25] =	ssyncadd.s32 $0xFFFFC000  }
0xf8: {  	[tilespmem:s14], [sflag:$0x3] =	stream.indirect.gather.add.f32 [hbm:s2], $0x80, s17, s8, $0xb8;
	[tilespmem:$0x1D900] =	vst v63  }
0xf9: {  	_ =	swait.ge [sflag:s28], $0x4000  }
0xfa: {  	[sflag:s28] =	ssyncset.done $0x0  }
0xfb: {  	s19 =	simm.s32 $0x4780;
	[sflag:s28] =	ssyncadd.s32 $0xFFFFC000  }
0xfc: {  	[tilespmem:s16], [sflag:$0x4] =	stream.indirect.gather.add.f32 [hbm:s2], $0x80, s19, s8, $0xb8;
	[tilespmem:$0x1D900] =	vst v63  }
0xfd: {  	_ =	swait.ge [sflag:s30], $0x4000  }
0xfe: {  	[sflag:s30] =	ssyncset.done $0x0  }
0xff: {  	s17 =	simm.s32 $0x4800;
	[sflag:s30] =	ssyncadd.s32 $0xFFFFC000  }
0x100: {  	[tilespmem:s18], [sflag:$0x5] =	stream.indirect.gather.add.f32 [hbm:s2], $0x80, s17, s8, $0xb8;
	[tilespmem:$0x1D900] =	vst v63  }
0x101: {  	_ =	swait.ge [sflag:s0], $0x4000  }
0x102: {  	[sflag:s0] =	ssyncset.done $0x0  }
0x103: {  	s19 =	simm.s32 $0x4880;
	[sflag:s0] =	ssyncadd.s32 $0xFFFFC000  }
0x104: {  	[tilespmem:s20], [sflag:$0x6] =	stream.indirect.gather.add.f32 [hbm:s2], $0x80, s19, s8, $0xb8;
	[tilespmem:$0x1D900] =	vst v63  }
0x105: {  	_ =	swait.ge [sflag:s21], $0x4000  }
0x106: {  	[sflag:s21] =	ssyncset.done $0x0  }
0x107: {  	s17 =	simm.s32 $0x4900;
	[sflag:s21] =	ssyncadd.s32 $0xFFFFC000  }
0x108: {  	[tilespmem:s10], [sflag:$0x1] =	stream.indirect.gather.add.f32 [hbm:s2], $0x80, s17, s8, $0xb8;
	[tilespmem:$0x1D900] =	vst v63  }
0x109: {  	_ =	swait.ge [sflag:s23], $0x4000  }
0x10a: {  	[sflag:s23] =	ssyncset.done $0x0  }
0x10b: {  	s19 =	simm.s32 $0x4980;
	[sflag:s23] =	ssyncadd.s32 $0xFFFFC000  }
0x10c: {  	[tilespmem:s12], [sflag:$0x2] =	stream.indirect.gather.add.f32 [hbm:s2], $0x80, s19, s8, $0xb8;
	[tilespmem:$0x1D900] =	vst v63  }
0x10d: {  	_ =	swait.ge [sflag:s25], $0x4000  }
0x10e: {  	[sflag:s25] =	ssyncset.done $0x0  }
0x10f: {  	s17 =	simm.s32 $0x4A00;
	[sflag:s25] =	ssyncadd.s32 $0xFFFFC000  }
0x110: {  	[tilespmem:s14], [sflag:$0x3] =	stream.indirect.gather.add.f32 [hbm:s2], $0x80, s17, s8, $0xb8;
	[tilespmem:$0x1D900] =	vst v63  }
0x111: {  	_ =	swait.ge [sflag:s28], $0x4000  }
0x112: {  	[sflag:s28] =	ssyncset.done $0x0  }
0x113: {  	s19 =	simm.s32 $0x4A80;
	[sflag:s28] =	ssyncadd.s32 $0xFFFFC000  }
0x114: {  	[tilespmem:s16], [sflag:$0x4] =	stream.indirect.gather.add.f32 [hbm:s2], $0x80, s19, s8, $0xb8;
	[tilespmem:$0x1D900] =	vst v63  }
0x115: {  	_ =	swait.ge [sflag:s30], $0x4000  }
0x116: {  	[sflag:s30] =	ssyncset.done $0x0  }
0x117: {  	s17 =	simm.s32 $0x4B00;
	[sflag:s30] =	ssyncadd.s32 $0xFFFFC000  }
0x118: {  	[tilespmem:s18], [sflag:$0x5] =	stream.indirect.gather.add.f32 [hbm:s2], $0x80, s17, s8, $0xb8;
	[tilespmem:$0x1D900] =	vst v63  }
0x119: {  	_ =	swait.ge [sflag:s0], $0x4000  }
0x11a: {  	[sflag:s0] =	ssyncset.done $0x0  }
0x11b: {  	s19 =	simm.s32 $0x4B80;
	[sflag:s0] =	ssyncadd.s32 $0xFFFFC000  }
0x11c: {  	[tilespmem:s20], [sflag:$0x6] =	stream.indirect.gather.add.f32 [hbm:s2], $0x80, s19, s8, $0xb8;
	[tilespmem:$0x1D900] =	vst v63  }
0x11d: {  	_ =	swait.ge [sflag:s21], $0x4000  }
0x11e: {  	[sflag:s21] =	ssyncset.done $0x0  }
0x11f: {  	s17 =	simm.s32 $0x4C00;
	[sflag:s21] =	ssyncadd.s32 $0xFFFFC000  }
0x120: {  	[tilespmem:s10], [sflag:$0x1] =	stream.indirect.gather.add.f32 [hbm:s2], $0x80, s17, s8, $0xb8;
	[tilespmem:$0x1D900] =	vst v63  }
0x121: {  	_ =	swait.ge [sflag:s23], $0x4000  }
0x122: {  	[sflag:s23] =	ssyncset.done $0x0  }
0x123: {  	s19 =	simm.s32 $0x4C80;
	[sflag:s23] =	ssyncadd.s32 $0xFFFFC000  }
0x124: {  	[tilespmem:s12], [sflag:$0x2] =	stream.indirect.gather.add.f32 [hbm:s2], $0x80, s19, s8, $0xb8;
	[tilespmem:$0x1D900] =	vst v63  }
0x125: {  	_ =	swait.ge [sflag:s25], $0x4000  }
0x126: {  	[sflag:s25] =	ssyncset.done $0x0  }
0x127: {  	s17 =	simm.s32 $0x4D00;
	[sflag:s25] =	ssyncadd.s32 $0xFFFFC000  }
0x128: {  	[tilespmem:s14], [sflag:$0x3] =	stream.indirect.gather.add.f32 [hbm:s2], $0x80, s17, s8, $0xb8;
	[tilespmem:$0x1D900] =	vst v63  }
0x129: {  	_ =	swait.ge [sflag:s28], $0x4000  }
0x12a: {  	[sflag:s28] =	ssyncset.done $0x0  }
0x12b: {  	s19 =	simm.s32 $0x4D80;
	[sflag:s28] =	ssyncadd.s32 $0xFFFFC000  }
0x12c: {  	[tilespmem:s16], [sflag:$0x4] =	stream.indirect.gather.add.f32 [hbm:s2], $0x80, s19, s8, $0xb8;
	[tilespmem:$0x1D900] =	vst v63  }
0x12d: {  	_ =	swait.ge [sflag:s30], $0x4000  }
0x12e: {  	[sflag:s30] =	ssyncset.done $0x0  }
0x12f: {  	s17 =	simm.s32 $0x4E00;
	[sflag:s30] =	ssyncadd.s32 $0xFFFFC000  }
0x130: {  	[tilespmem:s18], [sflag:$0x5] =	stream.indirect.gather.add.f32 [hbm:s2], $0x80, s17, s8, $0xb8;
	[tilespmem:$0x1D900] =	vst v63  }
0x131: {  	_ =	swait.ge [sflag:s0], $0x4000  }
0x132: {  	[sflag:s0] =	ssyncset.done $0x0  }
0x133: {  	s19 =	simm.s32 $0x4E80;
	[sflag:s0] =	ssyncadd.s32 $0xFFFFC000  }
0x134: {  	[tilespmem:s20], [sflag:$0x6] =	stream.indirect.gather.add.f32 [hbm:s2], $0x80, s19, s8, $0xb8;
	[tilespmem:$0x1D900] =	vst v63  }
0x135: {  	_ =	swait.ge [sflag:s21], $0x4000  }
0x136: {  	[sflag:s21] =	ssyncset.done $0x0  }
0x137: {  	s17 =	simm.s32 $0x4F00;
	[sflag:s21] =	ssyncadd.s32 $0xFFFFC000  }
0x138: {  	[tilespmem:s10], [sflag:$0x1] =	stream.indirect.gather.add.f32 [hbm:s2], $0x80, s17, s8, $0xb8;
	[tilespmem:$0x1D900] =	vst v63  }
0x139: {  	_ =	swait.ge [sflag:s23], $0x4000  }
0x13a: {  	[sflag:s23] =	ssyncset.done $0x0  }
0x13b: {  	s19 =	simm.s32 $0x4F80;
	[sflag:s23] =	ssyncadd.s32 $0xFFFFC000  }
0x13c: {  	[tilespmem:s12], [sflag:$0x2] =	stream.indirect.gather.add.f32 [hbm:s2], $0x80, s19, s8, $0xb8;
	[tilespmem:$0x1D900] =	vst v63  }
0x13d: {  	_ =	swait.ge [sflag:s25], $0x4000  }
0x13e: {  	[sflag:s25] =	ssyncset.done $0x0  }
0x13f: {  	s17 =	simm.s32 $0x5000;
	[sflag:s25] =	ssyncadd.s32 $0xFFFFC000  }
0x140: {  	[tilespmem:s14], [sflag:$0x3] =	stream.indirect.gather.add.f32 [hbm:s2], $0x80, s17, s8, $0xb8;
	[tilespmem:$0x1D900] =	vst v63  }
0x141: {  	_ =	swait.ge [sflag:s28], $0x4000  }
0x142: {  	[sflag:s28] =	ssyncset.done $0x0  }
0x143: {  	s19 =	simm.s32 $0x5080;
	[sflag:s28] =	ssyncadd.s32 $0xFFFFC000  }
0x144: {  	[tilespmem:s16], [sflag:$0x4] =	stream.indirect.gather.add.f32 [hbm:s2], $0x80, s19, s8, $0xb8;
	[tilespmem:$0x1D900] =	vst v63  }
0x145: {  	_ =	swait.ge [sflag:s30], $0x4000  }
0x146: {  	[sflag:s30] =	ssyncset.done $0x0  }
0x147: {  	s17 =	simm.s32 $0x5100;
	[sflag:s30] =	ssyncadd.s32 $0xFFFFC000  }
0x148: {  	[tilespmem:s18], [sflag:$0x5] =	stream.indirect.gather.add.f32 [hbm:s2], $0x80, s17, s8, $0xb8;
	[tilespmem:$0x1D900] =	vst v63  }
0x149: {  	_ =	swait.ge [sflag:s0], $0x4000  }
0x14a: {  	[sflag:s0] =	ssyncset.done $0x0  }
0x14b: {  	s19 =	simm.s32 $0x5180;
	[sflag:s0] =	ssyncadd.s32 $0xFFFFC000  }
0x14c: {  	[tilespmem:s20], [sflag:$0x6] =	stream.indirect.gather.add.f32 [hbm:s2], $0x80, s19, s8, $0xb8;
	[tilespmem:$0x1D900] =	vst v63  }
0x14d: {  	_ =	swait.ge [sflag:s21], $0x4000  }
0x14e: {  	[sflag:s21] =	ssyncset.done $0x0  }
0x14f: {  	s17 =	simm.s32 $0x5200;
	[sflag:s21] =	ssyncadd.s32 $0xFFFFC000  }
0x150: {  	[tilespmem:s10], [sflag:$0x1] =	stream.indirect.gather.add.f32 [hbm:s2], $0x80, s17, s8, $0xb8;
	[tilespmem:$0x1D900] =	vst v63  }
0x151: {  	_ =	swait.ge [sflag:s23], $0x4000  }
0x152: {  	[sflag:s23] =	ssyncset.done $0x0  }
0x153: {  	s19 =	simm.s32 $0x5280;
	[sflag:s23] =	ssyncadd.s32 $0xFFFFC000  }
0x154: {  	[tilespmem:s12], [sflag:$0x2] =	stream.indirect.gather.add.f32 [hbm:s2], $0x80, s19, s8, $0xb8;
	[tilespmem:$0x1D900] =	vst v63  }
0x155: {  	_ =	swait.ge [sflag:s25], $0x4000  }
0x156: {  	[sflag:s25] =	ssyncset.done $0x0  }
0x157: {  	s17 =	simm.s32 $0x5300;
	[sflag:s25] =	ssyncadd.s32 $0xFFFFC000  }
0x158: {  	[tilespmem:s14], [sflag:$0x3] =	stream.indirect.gather.add.f32 [hbm:s2], $0x80, s17, s8, $0xb8;
	[tilespmem:$0x1D900] =	vst v63  }
0x159: {  	_ =	swait.ge [sflag:s28], $0x4000  }
0x15a: {  	[sflag:s28] =	ssyncset.done $0x0  }
0x15b: {  	s19 =	simm.s32 $0x5380;
	[sflag:s28] =	ssyncadd.s32 $0xFFFFC000  }
0x15c: {  	[tilespmem:s16], [sflag:$0x4] =	stream.indirect.gather.add.f32 [hbm:s2], $0x80, s19, s8, $0xb8;
	[tilespmem:$0x1D900] =	vst v63  }
0x15d: {  	_ =	swait.ge [sflag:s30], $0x4000  }
0x15e: {  	[sflag:s30] =	ssyncset.done $0x0  }
0x15f: {  	s17 =	simm.s32 $0x5400;
	[sflag:s30] =	ssyncadd.s32 $0xFFFFC000  }
0x160: {  	[tilespmem:s18], [sflag:$0x5] =	stream.indirect.gather.add.f32 [hbm:s2], $0x80, s17, s8, $0xb8;
	[tilespmem:$0x1D900] =	vst v63  }
0x161: {  	_ =	swait.ge [sflag:s0], $0x4000  }
0x162: {  	[sflag:s0] =	ssyncset.done $0x0  }
0x163: {  	s19 =	simm.s32 $0x5480;
	[sflag:s0] =	ssyncadd.s32 $0xFFFFC000  }
0x164: {  	[tilespmem:s20], [sflag:$0x6] =	stream.indirect.gather.add.f32 [hbm:s2], $0x80, s19, s8, $0xb8;
	[tilespmem:$0x1D900] =	vst v63  }
0x165: {  	_ =	swait.ge [sflag:s21], $0x4000  }
0x166: {  	[sflag:s21] =	ssyncset.done $0x0  }
0x167: {  	[sflag:s21] =	ssyncadd.s32 $0xFFFFC000  }
0x168: {  	[tilespmem:s10], [sflag:$0x1] =	stream.indirect.gather.add.f32 [hbm:s2], $0x80, s22, s8, $0xb8;
	[tilespmem:$0x1D900] =	vst v63  }
0x169: {  	_ =	swait.ge [sflag:s23], $0x4000  }
0x16a: {  	[sflag:s23] =	ssyncset.done $0x0  }
0x16b: {  	[sflag:s23] =	ssyncadd.s32 $0xFFFFC000  }
0x16c: {  	[tilespmem:s12], [sflag:$0x2] =	stream.indirect.gather.add.f32 [hbm:s2], $0x80, s24, s8, $0xb8;
	[tilespmem:$0x1D900] =	vst v63  }
0x16d: {  	_ =	swait.ge [sflag:s25], $0x4000  }
0x16e: {  	[sflag:s25] =	ssyncset.done $0x0  }
0x16f: {  	[sflag:s25] =	ssyncadd.s32 $0xFFFFC000  }
0x170: {  	[tilespmem:s14], [sflag:$0x3] =	stream.indirect.gather.add.f32 [hbm:s2], $0x80, s26, s8, $0xb8;
	[tilespmem:$0x1D900] =	vst v63  }
0x171: {  	_ =	swait.ge [sflag:s28], $0x4000  }
0x172: {  	[sflag:s28] =	ssyncset.done $0x0  }
0x173: {  	[sflag:s28] =	ssyncadd.s32 $0xFFFFC000  }
0x174: {  	[tilespmem:s16], [sflag:$0x4] =	stream.indirect.gather.add.f32 [hbm:s2], $0x80, s29, s8, $0xb8;
	[tilespmem:$0x1D900] =	vst v63  }
0x175: {  	_ =	swait.ge [sflag:s30], $0x4000  }
0x176: {  	[sflag:s30] =	ssyncset.done $0x0  }
0x177: {  	[sflag:s30] =	ssyncadd.s32 $0xFFFFC000  }
0x178: {  	[tilespmem:s18], [sflag:$0x5] =	stream.indirect.gather.add.f32 [hbm:s2], $0x80, s31, s8, $0xb8;
	[tilespmem:$0x1D900] =	vst v63  }
0x179: {  	_ =	swait.ge [sflag:s0], $0x4000  }
0x17a: {  	[sflag:s0] =	ssyncset.done $0x0  }
0x17b: {  	[sflag:s0] =	ssyncadd.s32 $0xFFFFC000  }
0x17c: {  	[tilespmem:s20], [sflag:$0x6] =	stream.indirect.gather.add.f32 [hbm:s2], $0x80, s1, s8, $0xb8;
	[tilespmem:$0x1D900] =	vst v63  }
0x17d: {  	_ =	swait.ge [sflag:s21], $0x4000  }
0x17e: {  	[sflag:s21] =	ssyncset.done $0x0  }
0x17f: {  	[sflag:s21] =	ssyncadd.s32 $0xFFFFC000  }
0x180: {  	[tilespmem:s10], [sflag:$0x1] =	stream.indirect.gather.add.f32 [hbm:s2], $0x80, s9, s8, $0xb8;
	[tilespmem:$0x1D900] =	vst v63  }
0x181: {  	_ =	swait.ge [sflag:s23], $0x4000  }
0x182: {  	[sflag:s23] =	ssyncset.done $0x0  }
0x183: {  	[sflag:s23] =	ssyncadd.s32 $0xFFFFC000  }
0x184: {  	[tilespmem:s12], [sflag:$0x2] =	stream.indirect.gather.add.f32 [hbm:s2], $0x80, s11, s8, $0xb8;
	[tilespmem:$0x1D900] =	vst v63  }
0x185: {  	_ =	swait.ge [sflag:s21], $0x4000  }
0x186: {  	[sflag:s21] =	ssyncset.done $0x0  }
0x187: {  	[sflag:s21] =	ssyncadd.s32 $0xFFFFC000  }
0x188: {  	_ =	swait.ge [sflag:s23], $0x4000  }
0x189: {  	[sflag:s23] =	ssyncset.done $0x0  }
0x18a: {  	[sflag:s23] =	ssyncadd.s32 $0xFFFFC000  }
0x18b: {  	_ =	swait.ge [sflag:s25], $0x4000  }
0x18c: {  	[sflag:s25] =	ssyncset.done $0x0  }
0x18d: {  	[sflag:s25] =	ssyncadd.s32 $0xFFFFC000  }
0x18e: {  	_ =	swait.ge [sflag:s28], $0x4000  }
0x18f: {  	[sflag:s28] =	ssyncset.done $0x0  }
0x190: {  	[sflag:s28] =	ssyncadd.s32 $0xFFFFC000  }
0x191: {  	_ =	swait.ge [sflag:s30], $0x4000  }
0x192: {  	[sflag:s30] =	ssyncset.done $0x0  }
0x193: {  	[sflag:s30] =	ssyncadd.s32 $0xFFFFC000  }
0x194: {  	_ =	swait.ge [sflag:s0], $0x4000  }
0x195: {  	[sflag:s0] =	ssyncset.done $0x0  }
0x196: {  	s15 =	simm.s32 $0x0;
	[sflag:s0] =	ssyncadd.s32 $0xFFFFC000  }
0x197: {  	v55 =	vld [tilespmem:s15+$0x19900]  }
0x198: {  	v52 =	vld [tilespmem:s15+$0x19910]  }
0x199: {  	v53 =	vld [tilespmem:s15+$0x19920]  }
0x19a: {  	v54 =	vld [tilespmem:s15+$0x19930]  }
0x19b: {  	v49 =	vld [tilespmem:s15+$0x19940]  }
0x19c: {  	v48 =	vld [tilespmem:s15+$0x19950]  }
0x19d: {  	v11 =	vld [tilespmem:s15+$0x15900]  }
0x19e: {  	v12 =	vld [tilespmem:s15+$0x15910]  }
0x19f: {  	v59 =	vld [tilespmem:s15+$0x15920]  }
0x1a0: {  	v58 =	vld [tilespmem:s15+$0x15930]  }
0x1a1: {  	v51 =	vld [tilespmem:s15+$0x15940]  }
0x1a2: {  	v50 =	vld [tilespmem:s15+$0x15950]  }
0x1a3: {  	v10 =	vld [tilespmem:s15+$0x11900]  }
0x1a4: {  	v13 =	vld [tilespmem:s15+$0x11910]  }
0x1a5: {  	v14 =	vld [tilespmem:s15+$0x11920]  }
0x1a6: {  	v16 =	vld [tilespmem:s15+$0x11930]  }
0x1a7: {  	v57 =	vld [tilespmem:s15+$0x11940]  }
0x1a8: {  	v56 =	vld [tilespmem:s15+$0x11950]  }
0x1a9: {  	v8 =	vld [tilespmem:s15+$0xD900]  }
0x1aa: {  	v9 =	vld [tilespmem:s15+$0xD910]  }
0x1ab: {  	v15 =	vld [tilespmem:s15+$0xD920]  }
0x1ac: {  	v17 =	vld [tilespmem:s15+$0xD930]  }
0x1ad: {  	v60 =	vld [tilespmem:s15+$0x9900]  }
0x1ae: {  	v62 =	vld [tilespmem:s15+$0x9910]  }
0x1af: {  	v18 =	vld [tilespmem:s15+$0x9920]  }
0x1b0: {  	v19 =	vld [tilespmem:s15+$0x9930]  }
0x1b1: {  	v63 =	vld [tilespmem:s15+$0x5900]  }
0x1b2: {  	v20 =	vld [tilespmem:s15+$0x5910]  }
0x1b3: {  	v21 =	vld [tilespmem:s15+$0x5920]  }
0x1b4: {  	v22 =	vld [tilespmem:s15+$0x5930]  }
0x1b5: {  	v61 =	vld [tilespmem:s15+$0xD940]  }
0x1b6: {  	v23 =	vadd.f32 v60, v63;
	v60 =	vld [tilespmem:s15+$0xD950]  }
0x1b7: {  	v20 =	vadd.f32 v62, v20;
	v63 =	vld [tilespmem:s15+$0x9940]  }
0x1b8: {  	v18 =	vadd.f32 v18, v21;
	v62 =	vld [tilespmem:s15+$0x9970];
	v23 =	vadd.f32 v8, v23  }
0x1b9: {  	v19 =	vadd.f32 v19, v22;
	v8 =	vld [tilespmem:s15+$0x9950];
	v20 =	vadd.f32 v9, v20  }
0x1ba: {  	v9 =	vld [tilespmem:s15+$0x9960];
	v15 =	vadd.f32 v15, v18;
	v21 =	vadd.f32 v10, v23  }
0x1bb: {  	v17 =	vadd.f32 v17, v19;
	v18 =	vadd.f32 v13, v20;
	v10 =	vld [tilespmem:s15+$0x5940]  }
0x1bc: {  	v14 =	vadd.f32 v14, v15;
	v13 =	vadd.f32 v11, v21;
	v11 =	vld [tilespmem:s15+$0x5950]  }
0x1bd: {  	s17 =	simm.s32 $0x200;
	v16 =	vadd.f32 v16, v17;
	v15 =	vadd.f32 v12, v18;
	v12 =	vld [tilespmem:s15+$0x5960]  }
.LBB2_4:
0x1be: {  	p0 =	sne.s32 s17, $0xFE00;
	v13 =	vadd.f32 v55, v13;
	v14 =	vadd.f32 v59, v14;
	v17 =	vld [tilespmem:s15+$0x5970]  }
0x1bf: {  	v15 =	vadd.f32 v52, v15;
	v16 =	vadd.f32 v58, v16;
	v18 =	vld [tilespmem:s15+$0xD960]  }
0x1c0: {  	v14 =	vadd.f32 v53, v14;
	v10 =	vadd.f32 v63, v10;
	v19 =	vld [tilespmem:s15+$0xD970]  }
0x1c1: {  	v16 =	vadd.f32 v54, v16;
	v8 =	vadd.f32 v8, v11;
	v11 =	vld [tilespmem:s15+$0x11960]  }
0x1c2: {  	v10 =	vadd.f32 v61, v10;
	v9 =	vadd.f32 v9, v12;
	v12 =	vld [tilespmem:s15+$0x11970]  }
0x1c3: {  	v8 =	vadd.f32 v60, v8;
	v20 =	vld [tilespmem:s15+$0x15960];
	v17 =	vadd.f32 v62, v17  }
0x1c4: {  	v10 =	vadd.f32 v57, v10;
	v9 =	vadd.f32 v18, v9;
	v18 =	vld [tilespmem:s15+$0x15970]  }
0x1c5: {  	v8 =	vadd.f32 v56, v8;
	v21 =	vld [tilespmem:s15+$0x19960];
	v17 =	vadd.f32 v19, v17  }
0x1c6: {  	s19 =	sshra.s32 s17, $0x2;
	v13 =	vmul.f32 $1.999999960e-02, v13;
	v10 =	vadd.f32 v51, v10;
	v9 =	vadd.f32 v11, v9;
	v11 =	vld [tilespmem:s15+$0x19970]  }
0x1c7: {  	v15 =	vmul.f32 $1.999999960e-02, v15;
	v55 =	vld [tilespmem:s19+$0x19900];
	v8 =	vadd.f32 v50, v8;
	v12 =	vadd.f32 v12, v17  }
0x1c8: {  	v52 =	vld [tilespmem:s19+$0x19910];
	[tilespmem:s15+$0x5900] =	vst v13;
	v13 =	vmul.f32 $1.999999960e-02, v14;
	v10 =	vadd.f32 v49, v10;
	v9 =	vadd.f32 v20, v9  }
0x1c9: {  	v14 =	vmul.f32 $1.999999960e-02, v16;
	v53 =	vld [tilespmem:s19+$0x19920];
	[tilespmem:s15+$0x5910] =	vst v15;
	v8 =	vadd.f32 v48, v8;
	v12 =	vadd.f32 v18, v12  }
0x1ca: {  	v54 =	vld [tilespmem:s19+$0x19930];
	[tilespmem:s15+$0x5920] =	vst v13;
	v10 =	vmul.f32 $1.999999960e-02, v10;
	v9 =	vadd.f32 v21, v9  }
0x1cb: {  	v49 =	vld [tilespmem:s19+$0x19940];
	[tilespmem:s15+$0x5930] =	vst v14;
	v8 =	vmul.f32 $1.999999960e-02, v8;
	v11 =	vadd.f32 v11, v12  }
0x1cc: {  	v48 =	vld [tilespmem:s19+$0x19950];
	[tilespmem:s15+$0x5940] =	vst v10;
	v9 =	vmul.f32 $1.999999960e-02, v9  }
0x1cd: {  	v12 =	vld [tilespmem:s19+$0x15900];
	[tilespmem:s15+$0x5950] =	vst v8;
	v8 =	vmul.f32 $1.999999960e-02, v11  }
0x1ce: {  	v15 =	vld [tilespmem:s19+$0x15910];
	[tilespmem:s15+$0x5960] =	vst v9  }
0x1cf: {  	v59 =	vld [tilespmem:s19+$0x15920];
	[tilespmem:s15+$0x5970] =	vst v8;
	s15 =	smov.u32 s19  }
0x1d0: {  	v58 =	vld [tilespmem:s15+$0x15930]  }
0x1d1: {  	v51 =	vld [tilespmem:s15+$0x15940]  }
0x1d2: {  	v50 =	vld [tilespmem:s15+$0x15950]  }
0x1d3: {  	v10 =	vld [tilespmem:s15+$0x11900]  }
0x1d4: {  	v11 =	vld [tilespmem:s15+$0x11910]  }
0x1d5: {  	v14 =	vld [tilespmem:s15+$0x11920]  }
0x1d6: {  	v16 =	vld [tilespmem:s15+$0x11930]  }
0x1d7: {  	v57 =	vld [tilespmem:s15+$0x11940]  }
0x1d8: {  	v56 =	vld [tilespmem:s15+$0x11950]  }
0x1d9: {  	v8 =	vld [tilespmem:s15+$0xD900]  }
0x1da: {  	v9 =	vld [tilespmem:s15+$0xD910]  }
0x1db: {  	v13 =	vld [tilespmem:s15+$0xD920]  }
0x1dc: {  	v17 =	vld [tilespmem:s15+$0xD930]  }
0x1dd: {  	v18 =	vld [tilespmem:s15+$0x9900]  }
0x1de: {  	v19 =	vld [tilespmem:s15+$0x9910]  }
0x1df: {  	v20 =	vld [tilespmem:s15+$0x9920]  }
0x1e0: {  	v21 =	vld [tilespmem:s15+$0x9930]  }
0x1e1: {  	v22 =	vld [tilespmem:s15+$0x5900]  }
0x1e2: {  	v23 =	vld [tilespmem:s15+$0x5910]  }
0x1e3: {  	v62 =	vld [tilespmem:s15+$0x5920]  }
0x1e4: {  	v24 =	vld [tilespmem:s15+$0x5930]  }
0x1e5: {  	v61 =	vld [tilespmem:s15+$0xD940]  }
0x1e6: {  	v18 =	vadd.f32 v18, v22;
	v60 =	vld [tilespmem:s15+$0xD950]  }
0x1e7: {  	v19 =	vadd.f32 v19, v23;
	v63 =	vld [tilespmem:s15+$0x9940]  }
0x1e8: {  	v18 =	vadd.f32 v8, v18;
	v20 =	vadd.f32 v20, v62;
	v8 =	vld [tilespmem:s15+$0x9950]  }
.Ltmp1:
0x1e9: {  	v19 =	vadd.f32 v9, v19;
	v21 =	vadd.f32 v21, v24;
	v9 =	vld [tilespmem:s15+$0x9960];
	(pc) =	sbr.rel @p0 .LBB2_4-.Ltmp1, $4  }
0x1ea: {  	v18 =	vadd.f32 v10, v18;
	v20 =	vadd.f32 v13, v20;
	v62 =	vld [tilespmem:s15+$0x9970]  }
0x1eb: {  	v19 =	vadd.f32 v11, v19;
	v17 =	vadd.f32 v17, v21;
	v10 =	vld [tilespmem:s15+$0x5940]  }
0x1ec: {  	v13 =	vadd.f32 v12, v18;
	v14 =	vadd.f32 v14, v20;
	v11 =	vld [tilespmem:s15+$0x5950]  }
0x1ed: {  	s17 =	sadd.s32 $0x200, s17;
	v15 =	vadd.f32 v15, v19;
	v16 =	vadd.f32 v16, v17;
	v12 =	vld [tilespmem:s15+$0x5960]  }
0x1ee: {  	v13 =	vadd.f32 v55, v13;
	v14 =	vadd.f32 v59, v14;
	v17 =	vld [tilespmem:s15+$0x5970]  }
0x1ef: {  	v18 =	vld [tilespmem:s15+$0xD960];
	v15 =	vadd.f32 v52, v15;
	v16 =	vadd.f32 v58, v16  }
0x1f0: {  	v19 =	vld [tilespmem:s15+$0xD970];
	v14 =	vadd.f32 v53, v14;
	v10 =	vadd.f32 v63, v10  }
0x1f1: {  	v58 =	vld [tilespmem:s15+$0x11960];
	v16 =	vadd.f32 v54, v16;
	v8 =	vadd.f32 v8, v11  }
0x1f2: {  	v59 =	vld [tilespmem:s15+$0x11970];
	v10 =	vadd.f32 v61, v10;
	v9 =	vadd.f32 v9, v12  }
0x1f3: {  	v20 =	vld [tilespmem:s15+$0x15960];
	v8 =	vadd.f32 v60, v8;
	v17 =	vadd.f32 v62, v17  }
0x1f4: {  	v60 =	vld [tilespmem:s15+$0x15970];
	v10 =	vadd.f32 v57, v10;
	v9 =	vadd.f32 v18, v9  }
0x1f5: {  	v21 =	vld [tilespmem:s15+$0x19960];
	v8 =	vadd.f32 v56, v8;
	v17 =	vadd.f32 v19, v17  }
0x1f6: {  	v13 =	vmul.f32 $1.999999960e-02, v13;
	v61 =	vld [tilespmem:s15+$0x19970];
	v10 =	vadd.f32 v51, v10;
	v9 =	vadd.f32 v58, v9  }
0x1f7: {  	v15 =	vmul.f32 $1.999999960e-02, v15;
	v8 =	vadd.f32 v50, v8;
	v12 =	vadd.f32 v59, v17  }
0x1f8: {  	[tilespmem:s15+$0x5900] =	vst v13;
	v62 =	vmul.f32 $1.999999960e-02, v14;
	v10 =	vadd.f32 v49, v10;
	v9 =	vadd.f32 v20, v9  }
0x1f9: {  	[tilespmem:s15+$0x5910] =	vst v15;
	v63 =	vmul.f32 $1.999999960e-02, v16;
	v8 =	vadd.f32 v48, v8;
	v12 =	vadd.f32 v60, v12  }
0x1fa: {  	[tilespmem:s15+$0x5920] =	vst v62;
	v10 =	vmul.f32 $1.999999960e-02, v10;
	v9 =	vadd.f32 v21, v9  }
0x1fb: {  	[tilespmem:s15+$0x5930] =	vst v63;
	v8 =	vmul.f32 $1.999999960e-02, v8;
	v11 =	vadd.f32 v61, v12  }
0x1fc: {  	[tilespmem:s15+$0x5940] =	vst v10;
	v9 =	vmul.f32 $1.999999960e-02, v9  }
0x1fd: {  	s13 =	sadd.s32 $0x1, s13;
	[tilespmem:s15+$0x5950] =	vst v8;
	v8 =	vmul.f32 $1.999999960e-02, v11  }
0x1fe: {  	p0 =	sne.s32 s13, s6;
	[tilespmem:s15+$0x5960] =	vst v9  }
.Ltmp2:
0x1ff: {  	[tilespmem:s15+$0x5970] =	vst v8;
	(pc) =	sbr.rel @p0 .LBB2_1-.Ltmp2, $4  }
0x200: {  	[hbm4b:s5+s3] =	stream.linear.scatter [tilespmem:s10], [sflag:$0x7], $0x4000, $0x38;
	[tilespmem:$0x1D900] =	vst v63  }
0x201: {  	_ =	swait.ge [sflag:s7], $0x4000  }
0x202: {  	[sflag:s7] =	ssyncset.done $0x0  }
0x203: {  	[sflag:s7] =	ssyncadd.s32 $0xFFFFC000  }
0x204: {  	_ =	sfence.sel $0x180000  }
0x205: {  	[bflag:$0x0] =	sbarrier.arrive $0xFFFF  }
0x206: {  	_ =	strace $0x90000047  }
0x207: {  	s0 =	stileid.u32;
	[bflag:$0x2] =	sbarrier.arrive $0xFFFF  }
0x208: {  	p0 =	sne.s32 s0, $0x0;
	s0 =	rddreg [dreg:$0x3]  }
0x209: {  	s0 =	sadd.s32 @!p0 $0x100000, s0  }
0x20a: {  	[sflag:s0] =	ssyncadd.tile.s32 @!p0 $0x1;
	_ =	shalt  }
.Lfunc_end2:
_tile_overlayer_lowered:
.L_overlay_start_2:
0x20b: {  	(tag) =	ssettag $0x2  }
0x20c: {  	s0 =	rddreg [dreg:$0x0];
	s2 =	stileid.u32  }
0x20d: {  	s1 =	rddreg [dreg:$0x1];
	p0 =	sne.s32 s2, $0x0  }
0x20e: {  	s3 =	rddreg [dreg:$0x2];
	[bflag:$0x3] =	sbarrier.arrive $0xFFFF;
	s2 =	simm.s32 @!p0 $0x1C07  }
0x20f: {  	[timem:s3], [sflag:s2] =	dma.local @!p0 [hbm:s0], s1  }
0x210: {  	s0 =	simm.s32 @!p0 $0x7  }
0x211: {  	_ =	swait.ge @!p0 [sflag:s0], s1  }
0x212: {  	s1 =	ssub.s32 @!p0 $0x0, s1;
	[sflag:s0] =	ssyncset.done @!p0 $0x0  }
0x213: {  	[sflag:s0] =	ssyncadd.s32 @!p0 s1  }
0x214: {  	[bflag:$0x3] =	sbarrier.arrive $0xFFFF  }
0x215: {  	_ =	shalt  }

</sc_bundles>
